<compile_context>
chip_gen: v7x
topology: tpu7x:2x2x1
jax: 0.10.2.dev20260603
libtpu: 0.0.44.dev20260713+nightly
codegen_flags: <defaults>
</compile_context>

<pallas_src>
import functools

import jax
import jax.numpy as jnp
from jax import lax
from jax.experimental import pallas as pl
from jax.experimental.pallas import tpu as pltpu
from jax.experimental.pallas import tpu_sc as plsc

B, T, H, W, C = 4, 15, 64, 64, 128
N = 262144
R = B * T * H * W
HW = H * W

NS = 16
NC = 2
IDX_PER_TILE = N // NS
WR = 8192
NWIN = R // WR
WIN_PER_SC = NWIN // NC
TPW = WR // NS
CH = 32
RB = 8
SEG = 2048
NSEG = IDX_PER_TILE // SEG
ZR = 64
CAP = SEG + 2 * CH


def _sc_scatter_body(feat_hbm, idx_hbm, dense_hbm,
                     idx_v, rows_v, loc_v, locst, rowst, feat, zeros_v,
                     spmem, gsem, asem, zsem):
    c = lax.axis_index("c")
    s = lax.axis_index("s")

    pltpu.sync_copy(idx_hbm.at[pl.ds(s * IDX_PER_TILE, IDX_PER_TILE)], idx_v)

    zero16 = jnp.zeros((16,), jnp.float32)

    def zbody(r, carry):
        for k in range(C // 16):
            zeros_v[r, pl.ds(k * 16, 16)] = zero16
        return carry

    lax.fori_loop(0, ZR, zbody, 0)

    iota16 = lax.iota(jnp.int32, 16)
    trash16 = jnp.full((16,), WR, jnp.int32)
    zrow16 = jnp.zeros((16,), jnp.int32)

    def complete(k):
        ps = lax.rem(k, RB)
        pltpu.make_async_copy(
            feat_hbm.at[pl.ds(0, CH)], feat.at[ps], gsem.at[ps]).wait()
        pltpu.async_copy(feat.at[ps], spmem.at[locst.at[ps]],
                         asem.at[ps], add=True)

    def issue_chunk(j, gc):
        slot = lax.rem(gc, RB)

        @pl.when(gc >= RB - 1)
        def _():
            complete(gc - (RB - 1))

        @pl.when(gc >= RB)
        def _():
            pltpu.make_async_copy(
                feat_hbm.at[pl.ds(0, CH)], feat.at[slot], asem.at[slot]
            ).wait()

        for k in range(CH // 16):
            locst[slot, pl.ds(k * 16, 16)] = loc_v[pl.ds(j * CH + k * 16, 16)]
            rowst[slot, pl.ds(k * 16, 16)] = rows_v[pl.ds(j * CH + k * 16, 16)]
        pltpu.async_copy(
            feat_hbm.at[rowst.at[slot]], feat.at[slot], gsem.at[slot])
        return gc + 1

    def window_body(wloc, carry):
        w = c * WIN_PER_SC + wloc
        lo = w * WR
        hi = lo + WR

        zds = [
            pltpu.async_copy(
                zeros_v, spmem.at[pl.ds(s * TPW + z * ZR, ZR)], zsem)
            for z in range(TPW // ZR)
        ]
        for d in zds:
            d.wait()
        plsc.subcore_barrier()

        def seg_body(seg, car):
            rem, gc = car
            seg_base = seg * SEG
            base_row = s * IDX_PER_TILE + seg_base

            def sbody(i, off):
                v = idx_v[pl.ds(seg_base + i * 16, 16)]
                m = (v >= lo) & (v < hi)
                rows16 = base_row + i * 16 + iota16
                pc = plsc.all_reduce_population_count(m)
                rank = jnp.cumsum(jnp.where(m, 1, 0).astype(jnp.int32))
                dst = off + rank - 1
                plsc.store_scatter(rows_v, [dst], rows16, mask=m)
                plsc.store_scatter(loc_v, [dst], v - lo, mask=m)
                return off + pc

            off = lax.fori_loop(0, SEG // 16, sbody,
                                jnp.full((16,), rem, jnp.int32))
            cnt = off[0]
            nfull = cnt // CH
            gc = lax.fori_loop(0, nfull, issue_chunk, gc)

            rbase = nfull * CH
            for k in range(CH // 16):
                rows_v[pl.ds(k * 16, 16)] = rows_v[pl.ds(rbase + k * 16, 16)]
                loc_v[pl.ds(k * 16, 16)] = loc_v[pl.ds(rbase + k * 16, 16)]
            return cnt - rbase, gc

        rem, gc = lax.fori_loop(0, NSEG, seg_body,
                                (jnp.int32(0), jnp.int32(0)))

        for k in range(CH // 16):
            rows_v[pl.ds(rem + k * 16, 16)] = zrow16
            loc_v[pl.ds(rem + k * 16, 16)] = trash16
        gc = issue_chunk(0, gc)

        for d in range(RB - 1, 0, -1):
            @pl.when(gc >= d)
            def _(d=d):
                complete(gc - d)
        for d in range(RB, 0, -1):
            @pl.when(gc >= d)
            def _(d=d):
                pltpu.make_async_copy(
                    feat_hbm.at[pl.ds(0, CH)], feat.at[lax.rem(gc - d, RB)],
                    asem.at[lax.rem(gc - d, RB)]).wait()

        plsc.subcore_barrier()

        pltpu.sync_copy(spmem.at[pl.ds(s * TPW, TPW)],
                        dense_hbm.at[pl.ds(lo + s * TPW, TPW)])
        return carry

    lax.fori_loop(0, WIN_PER_SC, window_body, 0)


def _sc_scatter(features, flat_idx):
    mesh = plsc.VectorSubcoreMesh(core_axis_name="c", subcore_axis_name="s")
    f = pl.kernel(
        _sc_scatter_body,
        mesh=mesh,
        out_type=jax.ShapeDtypeStruct((R, C), jnp.float32),
        compiler_params=pltpu.CompilerParams(needs_layout_passes=False),
        scratch_types=[
            pltpu.VMEM((IDX_PER_TILE,), jnp.int32),
            pltpu.VMEM((CAP,), jnp.int32),
            pltpu.VMEM((CAP,), jnp.int32),
            pltpu.VMEM((RB, CH), jnp.int32),
            pltpu.VMEM((RB, CH), jnp.int32),
            pltpu.VMEM((RB, CH, C), jnp.float32),
            pltpu.VMEM((ZR, C), jnp.float32),
            pltpu.VMEM_SHARED((WR + 8, C), jnp.float32),
            pltpu.SemaphoreType.DMA((RB,)),
            pltpu.SemaphoreType.DMA((RB,)),
            pltpu.SemaphoreType.DMA,
        ],
    )
    return f(features, flat_idx)


BLK = 512


def _tc_body(x_ref, w_ref, b_ref, wa_ref, ba_ref, o_ref):
    x = x_ref[0]
    zpad = jnp.zeros((1, BLK, C), jnp.float32)
    xm = jnp.concatenate([zpad, x[:-1]], axis=0)
    xp = jnp.concatenate([x[1:], zpad], axis=0)
    a = jnp.concatenate([xm, x, xp], axis=-1).reshape(T * BLK, 3 * C)
    y = jnp.dot(a, w_ref[...], preferred_element_type=jnp.float32)
    y = y + b_ref[...]
    att = jnp.dot(y, wa_ref[...], preferred_element_type=jnp.float32)
    att = att.reshape(T, BLK) + ba_ref[0, 0]
    att = jax.nn.softmax(att, axis=0)
    o_ref[0] = (y.reshape(T, BLK, C) * att[:, :, None]).sum(axis=0)


def _tc_temporal(dense, w_cat, b_t, wa_col, b_a):
    x = dense.reshape(B, T, HW, C)
    grid = (B, HW // BLK)
    out = pl.pallas_call(
        _tc_body,
        grid=grid,
        in_specs=[
            pl.BlockSpec((1, T, BLK, C), lambda b, j: (b, 0, j, 0)),
            pl.BlockSpec((3 * C, C), lambda b, j: (0, 0)),
            pl.BlockSpec((1, C), lambda b, j: (0, 0)),
            pl.BlockSpec((C, 1), lambda b, j: (0, 0)),
            pl.BlockSpec((1, 1), lambda b, j: (0, 0)),
        ],
        out_specs=pl.BlockSpec((1, BLK, C), lambda b, j: (b, j, 0)),
        out_shape=jax.ShapeDtypeStruct((B, HW, C), jnp.float32),
    )(x, w_cat, b_t, wa_col, b_a)
    return out


def kernel(features, flat_idx, w_t, b_t, w_a, b_a):
    dense = _sc_scatter(features, flat_idx)
    w_cat = jnp.transpose(w_t, (2, 1, 0)).reshape(3 * C, C)
    wa_col = w_a[0, :, :]
    out = _tc_temporal(dense, w_cat, b_t.reshape(1, C), wa_col,
                       b_a.reshape(1, 1))
    return jnp.transpose(out.reshape(B, H, W, C), (0, 3, 1, 2))

# --- scband reference (transcript-rebuilt; emitter-appended) ---
"""Pipeline reference for scband-temporal-attention-bridge-69965017252015 (READ-ONLY COPY).

The authoritative reference and input builder live on the scoring server;
editing this copy changes nothing except your own understanding.
"""

import jax, jax.numpy as jnp
import numpy as np

B, T, H, W, C = 4, 15, 64, 64, 128
N = 262144


def setup_inputs(seed: int = 0) -> dict:
    key = jax.random.key(seed)
    k1, k2, k3, k4 = jax.random.split(key, 4)
    features = jax.random.normal(k1, (N, C), dtype=jnp.float32)
    flat_idx = jax.random.randint(k2, (N,), 0, B * T * H * W, dtype=jnp.int32)
    # learned params: Conv1d(C, C, k=3, pad=1), Conv1d(C, 1, k=1); adapter is Identity (in_ch == out_ch)
    w_t = jax.random.normal(k3, (C, C, 3), dtype=jnp.float32) * 0.05
    b_t = jnp.zeros((C,), dtype=jnp.float32)
    w_a = jax.random.normal(k4, (1, C, 1), dtype=jnp.float32) * 0.05
    b_a = jnp.zeros((1,), dtype=jnp.float32)
    return {"features": features, "flat_idx": flat_idx, "w_t": w_t, "b_t": b_t, "w_a": w_a, "b_a": b_a}


def reference(features, flat_idx, w_t, b_t, w_a, b_a):
    # _sparse_to_5d: scatter-add sparse voxel features into dense [B*T*H*W, C]
    dense = jnp.zeros((B * T * H * W, C), dtype=features.dtype).at[flat_idx].add(features)
    dense = dense.reshape(B, T, H, W, C)
    # permute to [B, C, T, H, W] then to [B*H*W, C, T]
    x = jnp.transpose(dense, (0, 2, 3, 4, 1)).reshape(B * H * W, C, T)
    # temporal Conv1d(C -> C, kernel=3, padding=1)
    x = jax.lax.conv_general_dilated(x, w_t, window_strides=(1,), padding=[(1, 1)],
                                     dimension_numbers=("NCH", "OIH", "NCH")) + b_t[None, :, None]
    # attention Conv1d(C -> 1, kernel=1)
    att = jax.lax.conv_general_dilated(x, w_a, window_strides=(1,), padding=[(0, 0)],
                                       dimension_numbers=("NCH", "OIH", "NCH")) + b_a[None, :, None]
    att = jax.nn.softmax(att, axis=2)
    # weighted temporal sum -> [B*H*W, C] -> [B, C, H, W]; adapter is Identity
    out = (x * att).sum(axis=2)
    out = jnp.transpose(out.reshape(B, H, W, C), (0, 3, 1, 2))
    return out

if __name__ == "__main__":
    import jax
    _d = setup_inputs()
    print(jax.jit(kernel)(*tuple(_d.values())))

</pallas_src>

<mosaic_0001>
#map = affine_map<(d0, d1) -> (0, 0)>
#map1 = affine_map<(d0, d1) -> (0)>
module attributes {stable_mosaic.version = 14 : i64} {
  func.func @_sc_scatter_body(%arg0: i32, %arg1: i32, %arg2: memref<262144x128xf32, #tpu.memory_space<hbm>>, %arg3: memref<262144xi32, #tpu.memory_space<hbm>>, %arg4: memref<245760x128xf32, #tpu.memory_space<hbm>>, %arg5: memref<16384xi32, #tpu.memory_space<vmem>>, %arg6: memref<2112xi32, #tpu.memory_space<vmem>>, %arg7: memref<2112xi32, #tpu.memory_space<vmem>>, %arg8: memref<8x32xi32, #tpu.memory_space<vmem>>, %arg9: memref<8x32xi32, #tpu.memory_space<vmem>>, %arg10: memref<8x32x128xf32, #tpu.memory_space<vmem>>, %arg11: memref<64x128xf32, #tpu.memory_space<vmem>>, %arg12: memref<8200x128xf32, #tpu.memory_space<vmem_shared>>, %arg13: memref<8x!tpu.dma_semaphore, #tpu.memory_space<semaphore_mem>>, %arg14: memref<8x!tpu.dma_semaphore, #tpu.memory_space<semaphore_mem>>, %arg15: memref<!tpu.dma_semaphore, #tpu.memory_space<semaphore_mem>>) attributes {dimension_semantics = [#tpu.dimension_semantics<core_parallel>, #tpu.dimension_semantics<subcore_parallel>], iteration_bounds = array<i64: 2, 16>, scalar_prefetch = 0 : i64, scratch_operands = 11 : i64, tpu.core_type = #tpu.core_type<sc_vector_subcore>, window_params = [{transform_indices = #map}, {transform_indices = #map1}, {transform_indices = #map}]} {
    %mul3A = arith.constant 16384 : i32
    %mul3A_0 = arith.muli %arg1, %mul3A : i32
    "tpu.region"() ({
      %run_scoped3A = tpu.sem_alloc : memref<!tpu.dma_semaphore, #tpu.memory_space<semaphore_mem>>
      %dma_start3A = tpu.memref_slice %arg3[%mul3A_0] : memref<262144xi32, #tpu.memory_space<hbm>> -> memref<16384xi32, #tpu.memory_space<hbm>>
      %dma_start3A_17 = tpu.memref_slice %arg3[%mul3A_0] : memref<262144xi32, #tpu.memory_space<hbm>> -> memref<16384xi32, #tpu.memory_space<hbm>>
      tpu.enqueue_dma source(%dma_start3A_17 : memref<16384xi32, #tpu.memory_space<hbm>>) target(%arg5 : memref<16384xi32, #tpu.memory_space<vmem>>) target_semaphore(%run_scoped3A : memref<!tpu.dma_semaphore, #tpu.memory_space<semaphore_mem>>)
      %dma_wait3A = tpu.memref_slice %arg3[%mul3A_0] : memref<262144xi32, #tpu.memory_space<hbm>> -> memref<16384xi32, #tpu.memory_space<hbm>>
      %dma_wait3A_18 = tpu.memref_slice %arg3[%mul3A_0] : memref<262144xi32, #tpu.memory_space<hbm>> -> memref<16384xi32, #tpu.memory_space<hbm>>
      tpu.wait_dma2 semaphore(%run_scoped3A : memref<!tpu.dma_semaphore, #tpu.memory_space<semaphore_mem>>) src(%dma_wait3A_18 : memref<16384xi32, #tpu.memory_space<hbm>>) dst(%arg5 : memref<16384xi32, #tpu.memory_space<vmem>>)
      tpu.yield
    }) : () -> ()
    %broadcast_in_dim3A = arith.constant 0.000000e+00 : f32
    %broadcast_in_dim3A_1 = vector.broadcast %broadcast_in_dim3A : f32 to vector<16xf32>
    %scan3A = arith.constant 0 : i32
    %scan3A_2 = arith.constant 0 : i32
    %scan3A_3 = arith.constant 64 : i32
    %scan3A_4 = arith.addi %scan3A_2, %scan3A_3 : i32
    %scan3A_5 = arith.constant 1 : i32
    scf.for %scan3A_17 = %scan3A_2 to %scan3A_4 step %scan3A_5  : i32 {
      %swap3A = arith.index_cast %scan3A_17 : i32 to index
      %swap3A_18 = arith.constant 0 : index
      %swap3A_19 = tpu.vector_load %arg11[%swap3A, %swap3A_18] {strides = array<i32>} : memref<64x128xf32, #tpu.memory_space<vmem>>, vector<16xf32>,
      tpu.vector_store %arg11[%swap3A, %swap3A_18], %broadcast_in_dim3A_1 {strides = array<i32>} : memref<64x128xf32, #tpu.memory_space<vmem>>, vector<16xf32>,
      %swap3A_20 = arith.index_cast %scan3A_17 : i32 to index
      %swap3A_21 = arith.constant 16 : index
      %swap3A_22 = tpu.vector_load %arg11[%swap3A_20, %swap3A_21] {strides = array<i32>} : memref<64x128xf32, #tpu.memory_space<vmem>>, vector<16xf32>,
      tpu.vector_store %arg11[%swap3A_20, %swap3A_21], %broadcast_in_dim3A_1 {strides = array<i32>} : memref<64x128xf32, #tpu.memory_space<vmem>>, vector<16xf32>,
      %swap3A_23 = arith.index_cast %scan3A_17 : i32 to index
      %swap3A_24 = arith.constant 32 : index
      %swap3A_25 = tpu.vector_load %arg11[%swap3A_23, %swap3A_24] {strides = array<i32>} : memref<64x128xf32, #tpu.memory_space<vmem>>, vector<16xf32>,
      tpu.vector_store %arg11[%swap3A_23, %swap3A_24], %broadcast_in_dim3A_1 {strides = array<i32>} : memref<64x128xf32, #tpu.memory_space<vmem>>, vector<16xf32>,
      %swap3A_26 = arith.index_cast %scan3A_17 : i32 to index
      %swap3A_27 = arith.constant 48 : index
      %swap3A_28 = tpu.vector_load %arg11[%swap3A_26, %swap3A_27] {strides = array<i32>} : memref<64x128xf32, #tpu.memory_space<vmem>>, vector<16xf32>,
      tpu.vector_store %arg11[%swap3A_26, %swap3A_27], %broadcast_in_dim3A_1 {strides = array<i32>} : memref<64x128xf32, #tpu.memory_space<vmem>>, vector<16xf32>,
      %swap3A_29 = arith.index_cast %scan3A_17 : i32 to index
      %swap3A_30 = arith.constant 64 : index
      %swap3A_31 = tpu.vector_load %arg11[%swap3A_29, %swap3A_30] {strides = array<i32>} : memref<64x128xf32, #tpu.memory_space<vmem>>, vector<16xf32>,
      tpu.vector_store %arg11[%swap3A_29, %swap3A_30], %broadcast_in_dim3A_1 {strides = array<i32>} : memref<64x128xf32, #tpu.memory_space<vmem>>, vector<16xf32>,
      %swap3A_32 = arith.index_cast %scan3A_17 : i32 to index
      %swap3A_33 = arith.constant 80 : index
      %swap3A_34 = tpu.vector_load %arg11[%swap3A_32, %swap3A_33] {strides = array<i32>} : memref<64x128xf32, #tpu.memory_space<vmem>>, vector<16xf32>,
      tpu.vector_store %arg11[%swap3A_32, %swap3A_33], %broadcast_in_dim3A_1 {strides = array<i32>} : memref<64x128xf32, #tpu.memory_space<vmem>>, vector<16xf32>,
      %swap3A_35 = arith.index_cast %scan3A_17 : i32 to index
      %swap3A_36 = arith.constant 96 : index
      %swap3A_37 = tpu.vector_load %arg11[%swap3A_35, %swap3A_36] {strides = array<i32>} : memref<64x128xf32, #tpu.memory_space<vmem>>, vector<16xf32>,
      tpu.vector_store %arg11[%swap3A_35, %swap3A_36], %broadcast_in_dim3A_1 {strides = array<i32>} : memref<64x128xf32, #tpu.memory_space<vmem>>, vector<16xf32>,
      %swap3A_38 = arith.index_cast %scan3A_17 : i32 to index
      %swap3A_39 = arith.constant 112 : index
      %swap3A_40 = tpu.vector_load %arg11[%swap3A_38, %swap3A_39] {strides = array<i32>} : memref<64x128xf32, #tpu.memory_space<vmem>>, vector<16xf32>,
      tpu.vector_store %arg11[%swap3A_38, %swap3A_39], %broadcast_in_dim3A_1 {strides = array<i32>} : memref<64x128xf32, #tpu.memory_space<vmem>>, vector<16xf32>,
    }
    %scan3A_6 = arith.constant 64 : i32
    %iota3A = tpu.iota {dimensions = array<i32: 0>} : vector<16xi32>
    %broadcast_in_dim3A_7 = arith.constant 8192 : i32
    %broadcast_in_dim3A_8 = vector.broadcast %broadcast_in_dim3A_7 : i32 to vector<16xi32>
    %broadcast_in_dim3A_9 = arith.constant 0 : i32
    %broadcast_in_dim3A_10 = vector.broadcast %broadcast_in_dim3A_9 : i32 to vector<16xi32>
    %scan3A_11 = arith.constant 0 : i32
    %scan3A_12 = arith.constant 0 : i32
    %scan3A_13 = arith.constant 15 : i32
    %scan3A_14 = arith.addi %scan3A_12, %scan3A_13 : i32
    %scan3A_15 = arith.constant 1 : i32
    scf.for %scan3A_17 = %scan3A_12 to %scan3A_14 step %scan3A_15  : i32 {
      %mul3A_18 = arith.constant 15 : i32
      %mul3A_19 = arith.muli %arg0, %mul3A_18 : i32
      %add3A = arith.addi %mul3A_19, %scan3A_17 : i32
      %mul3A_20 = arith.constant 8192 : i32
      %mul3A_21 = arith.muli %add3A, %mul3A_20 : i32
      %add3A_22 = arith.constant 8192 : i32
      %add3A_23 = arith.addi %mul3A_21, %add3A_22 : i32
      %mul3A_24 = arith.constant 512 : i32
      %mul3A_25 = arith.muli %arg1, %mul3A_24 : i32
      %add3A_26 = arith.constant 0 : i32
      %add3A_27 = arith.addi %mul3A_25, %add3A_26 : i32
      %dma_start3A = arith.constant 0 : i32
      %dma_start3A_28 = tpu.memref_slice %arg12[%add3A_27, %dma_start3A] : memref<8200x128xf32, #tpu.memory_space<vmem_shared>> -> memref<64x128xf32, #tpu.memory_space<vmem_shared>>
      %dma_start3A_29 = arith.constant 0 : i32
      %dma_start3A_30 = tpu.memref_slice %arg12[%add3A_27, %dma_start3A_29] : memref<8200x128xf32, #tpu.memory_space<vmem_shared>> -> memref<64x128xf32, #tpu.memory_space<vmem_shared>>
      tpu.enqueue_dma source(%arg11 : memref<64x128xf32, #tpu.memory_space<vmem>>) target(%dma_start3A_30 : memref<64x128xf32, #tpu.memory_space<vmem_shared>>) target_semaphore(%arg15 : memref<!tpu.dma_semaphore, #tpu.memory_space<semaphore_mem>>)
      %mul3A_31 = arith.constant 512 : i32
      %mul3A_32 = arith.muli %arg1, %mul3A_31 : i32
      %add3A_33 = arith.constant 64 : i32
      %add3A_34 = arith.addi %mul3A_32, %add3A_33 : i32
      %dma_start3A_35 = arith.constant 0 : i32
      %dma_start3A_36 = tpu.memref_slice %arg12[%add3A_34, %dma_start3A_35] : memref<8200x128xf32, #tpu.memory_space<vmem_shared>> -> memref<64x128xf32, #tpu.memory_space<vmem_shared>>
      %dma_start3A_37 = arith.constant 0 : i32
      %dma_start3A_38 = tpu.memref_slice %arg12[%add3A_34, %dma_start3A_37] : memref<8200x128xf32, #tpu.memory_space<vmem_shared>> -> memref<64x128xf32, #tpu.memory_space<vmem_shared>>
      tpu.enqueue_dma source(%arg11 : memref<64x128xf32, #tpu.memory_space<vmem>>) target(%dma_start3A_38 : memref<64x128xf32, #tpu.memory_space<vmem_shared>>) target_semaphore(%arg15 : memref<!tpu.dma_semaphore, #tpu.memory_space<semaphore_mem>>)
      %mul3A_39 = arith.constant 512 : i32
      %mul3A_40 = arith.muli %arg1, %mul3A_39 : i32
      %add3A_41 = arith.constant 128 : i32
      %add3A_42 = arith.addi %mul3A_40, %add3A_41 : i32
      %dma_start3A_43 = arith.constant 0 : i32
      %dma_start3A_44 = tpu.memref_slice %arg12[%add3A_42, %dma_start3A_43] : memref<8200x128xf32, #tpu.memory_space<vmem_shared>> -> memref<64x128xf32, #tpu.memory_space<vmem_shared>>
      %dma_start3A_45 = arith.constant 0 : i32
      %dma_start3A_46 = tpu.memref_slice %arg12[%add3A_42, %dma_start3A_45] : memref<8200x128xf32, #tpu.memory_space<vmem_shared>> -> memref<64x128xf32, #tpu.memory_space<vmem_shared>>
      tpu.enqueue_dma source(%arg11 : memref<64x128xf32, #tpu.memory_space<vmem>>) target(%dma_start3A_46 : memref<64x128xf32, #tpu.memory_space<vmem_shared>>) target_semaphore(%arg15 : memref<!tpu.dma_semaphore, #tpu.memory_space<semaphore_mem>>)
      %mul3A_47 = arith.constant 512 : i32
      %mul3A_48 = arith.muli %arg1, %mul3A_47 : i32
      %add3A_49 = arith.constant 192 : i32
      %add3A_50 = arith.addi %mul3A_48, %add3A_49 : i32
      %dma_start3A_51 = arith.constant 0 : i32
      %dma_start3A_52 = tpu.memref_slice %arg12[%add3A_50, %dma_start3A_51] : memref<8200x128xf32, #tpu.memory_space<vmem_shared>> -> memref<64x128xf32, #tpu.memory_space<vmem_shared>>
      %dma_start3A_53 = arith.constant 0 : i32
      %dma_start3A_54 = tpu.memref_slice %arg12[%add3A_50, %dma_start3A_53] : memref<8200x128xf32, #tpu.memory_space<vmem_shared>> -> memref<64x128xf32, #tpu.memory_space<vmem_shared>>
      tpu.enqueue_dma source(%arg11 : memref<64x128xf32, #tpu.memory_space<vmem>>) target(%dma_start3A_54 : memref<64x128xf32, #tpu.memory_space<vmem_shared>>) target_semaphore(%arg15 : memref<!tpu.dma_semaphore, #tpu.memory_space<semaphore_mem>>)
      %mul3A_55 = arith.constant 512 : i32
      %mul3A_56 = arith.muli %arg1, %mul3A_55 : i32
      %add3A_57 = arith.constant 256 : i32
      %add3A_58 = arith.addi %mul3A_56, %add3A_57 : i32
      %dma_start3A_59 = arith.constant 0 : i32
      %dma_start3A_60 = tpu.memref_slice %arg12[%add3A_58, %dma_start3A_59] : memref<8200x128xf32, #tpu.memory_space<vmem_shared>> -> memref<64x128xf32, #tpu.memory_space<vmem_shared>>
      %dma_start3A_61 = arith.constant 0 : i32
      %dma_start3A_62 = tpu.memref_slice %arg12[%add3A_58, %dma_start3A_61] : memref<8200x128xf32, #tpu.memory_space<vmem_shared>> -> memref<64x128xf32, #tpu.memory_space<vmem_shared>>
      tpu.enqueue_dma source(%arg11 : memref<64x128xf32, #tpu.memory_space<vmem>>) target(%dma_start3A_62 : memref<64x128xf32, #tpu.memory_space<vmem_shared>>) target_semaphore(%arg15 : memref<!tpu.dma_semaphore, #tpu.memory_space<semaphore_mem>>)
      %mul3A_63 = arith.constant 512 : i32
      %mul3A_64 = arith.muli %arg1, %mul3A_63 : i32
      %add3A_65 = arith.constant 320 : i32
      %add3A_66 = arith.addi %mul3A_64, %add3A_65 : i32
      %dma_start3A_67 = arith.constant 0 : i32
      %dma_start3A_68 = tpu.memref_slice %arg12[%add3A_66, %dma_start3A_67] : memref<8200x128xf32, #tpu.memory_space<vmem_shared>> -> memref<64x128xf32, #tpu.memory_space<vmem_shared>>
      %dma_start3A_69 = arith.constant 0 : i32
      %dma_start3A_70 = tpu.memref_slice %arg12[%add3A_66, %dma_start3A_69] : memref<8200x128xf32, #tpu.memory_space<vmem_shared>> -> memref<64x128xf32, #tpu.memory_space<vmem_shared>>
      tpu.enqueue_dma source(%arg11 : memref<64x128xf32, #tpu.memory_space<vmem>>) target(%dma_start3A_70 : memref<64x128xf32, #tpu.memory_space<vmem_shared>>) target_semaphore(%arg15 : memref<!tpu.dma_semaphore, #tpu.memory_space<semaphore_mem>>)
      %mul3A_71 = arith.constant 512 : i32
      %mul3A_72 = arith.muli %arg1, %mul3A_71 : i32
      %add3A_73 = arith.constant 384 : i32
      %add3A_74 = arith.addi %mul3A_72, %add3A_73 : i32
      %dma_start3A_75 = arith.constant 0 : i32
      %dma_start3A_76 = tpu.memref_slice %arg12[%add3A_74, %dma_start3A_75] : memref<8200x128xf32, #tpu.memory_space<vmem_shared>> -> memref<64x128xf32, #tpu.memory_space<vmem_shared>>
      %dma_start3A_77 = arith.constant 0 : i32
      %dma_start3A_78 = tpu.memref_slice %arg12[%add3A_74, %dma_start3A_77] : memref<8200x128xf32, #tpu.memory_space<vmem_shared>> -> memref<64x128xf32, #tpu.memory_space<vmem_shared>>
      tpu.enqueue_dma source(%arg11 : memref<64x128xf32, #tpu.memory_space<vmem>>) target(%dma_start3A_78 : memref<64x128xf32, #tpu.memory_space<vmem_shared>>) target_semaphore(%arg15 : memref<!tpu.dma_semaphore, #tpu.memory_space<semaphore_mem>>)
      %mul3A_79 = arith.constant 512 : i32
      %mul3A_80 = arith.muli %arg1, %mul3A_79 : i32
      %add3A_81 = arith.constant 448 : i32
      %add3A_82 = arith.addi %mul3A_80, %add3A_81 : i32
      %dma_start3A_83 = arith.constant 0 : i32
      %dma_start3A_84 = tpu.memref_slice %arg12[%add3A_82, %dma_start3A_83] : memref<8200x128xf32, #tpu.memory_space<vmem_shared>> -> memref<64x128xf32, #tpu.memory_space<vmem_shared>>
      %dma_start3A_85 = arith.constant 0 : i32
      %dma_start3A_86 = tpu.memref_slice %arg12[%add3A_82, %dma_start3A_85] : memref<8200x128xf32, #tpu.memory_space<vmem_shared>> -> memref<64x128xf32, #tpu.memory_space<vmem_shared>>
      tpu.enqueue_dma source(%arg11 : memref<64x128xf32, #tpu.memory_space<vmem>>) target(%dma_start3A_86 : memref<64x128xf32, #tpu.memory_space<vmem_shared>>) target_semaphore(%arg15 : memref<!tpu.dma_semaphore, #tpu.memory_space<semaphore_mem>>)
      %dma_wait3A = arith.constant 0 : i32
      %dma_wait3A_87 = tpu.memref_slice %arg12[%add3A_27, %dma_wait3A] : memref<8200x128xf32, #tpu.memory_space<vmem_shared>> -> memref<64x128xf32, #tpu.memory_space<vmem_shared>>
      %dma_wait3A_88 = arith.constant 0 : i32
      %dma_wait3A_89 = tpu.memref_slice %arg12[%add3A_27, %dma_wait3A_88] : memref<8200x128xf32, #tpu.memory_space<vmem_shared>> -> memref<64x128xf32, #tpu.memory_space<vmem_shared>>
      tpu.wait_dma2 semaphore(%arg15 : memref<!tpu.dma_semaphore, #tpu.memory_space<semaphore_mem>>) src(%arg11 : memref<64x128xf32, #tpu.memory_space<vmem>>) dst(%dma_wait3A_89 : memref<64x128xf32, #tpu.memory_space<vmem_shared>>)
      %dma_wait3A_90 = arith.constant 0 : i32
      %dma_wait3A_91 = tpu.memref_slice %arg12[%add3A_34, %dma_wait3A_90] : memref<8200x128xf32, #tpu.memory_space<vmem_shared>> -> memref<64x128xf32, #tpu.memory_space<vmem_shared>>
      %dma_wait3A_92 = arith.constant 0 : i32
      %dma_wait3A_93 = tpu.memref_slice %arg12[%add3A_34, %dma_wait3A_92] : memref<8200x128xf32, #tpu.memory_space<vmem_shared>> -> memref<64x128xf32, #tpu.memory_space<vmem_shared>>
      tpu.wait_dma2 semaphore(%arg15 : memref<!tpu.dma_semaphore, #tpu.memory_space<semaphore_mem>>) src(%arg11 : memref<64x128xf32, #tpu.memory_space<vmem>>) dst(%dma_wait3A_93 : memref<64x128xf32, #tpu.memory_space<vmem_shared>>)
      %dma_wait3A_94 = arith.constant 0 : i32
      %dma_wait3A_95 = tpu.memref_slice %arg12[%add3A_42, %dma_wait3A_94] : memref<8200x128xf32, #tpu.memory_space<vmem_shared>> -> memref<64x128xf32, #tpu.memory_space<vmem_shared>>
      %dma_wait3A_96 = arith.constant 0 : i32
      %dma_wait3A_97 = tpu.memref_slice %arg12[%add3A_42, %dma_wait3A_96] : memref<8200x128xf32, #tpu.memory_space<vmem_shared>> -> memref<64x128xf32, #tpu.memory_space<vmem_shared>>
      tpu.wait_dma2 semaphore(%arg15 : memref<!tpu.dma_semaphore, #tpu.memory_space<semaphore_mem>>) src(%arg11 : memref<64x128xf32, #tpu.memory_space<vmem>>) dst(%dma_wait3A_97 : memref<64x128xf32, #tpu.memory_space<vmem_shared>>)
      %dma_wait3A_98 = arith.constant 0 : i32
      %dma_wait3A_99 = tpu.memref_slice %arg12[%add3A_50, %dma_wait3A_98] : memref<8200x128xf32, #tpu.memory_space<vmem_shared>> -> memref<64x128xf32, #tpu.memory_space<vmem_shared>>
      %dma_wait3A_100 = arith.constant 0 : i32
      %dma_wait3A_101 = tpu.memref_slice %arg12[%add3A_50, %dma_wait3A_100] : memref<8200x128xf32, #tpu.memory_space<vmem_shared>> -> memref<64x128xf32, #tpu.memory_space<vmem_shared>>
      tpu.wait_dma2 semaphore(%arg15 : memref<!tpu.dma_semaphore, #tpu.memory_space<semaphore_mem>>) src(%arg11 : memref<64x128xf32, #tpu.memory_space<vmem>>) dst(%dma_wait3A_101 : memref<64x128xf32, #tpu.memory_space<vmem_shared>>)
      %dma_wait3A_102 = arith.constant 0 : i32
      %dma_wait3A_103 = tpu.memref_slice %arg12[%add3A_58, %dma_wait3A_102] : memref<8200x128xf32, #tpu.memory_space<vmem_shared>> -> memref<64x128xf32, #tpu.memory_space<vmem_shared>>
      %dma_wait3A_104 = arith.constant 0 : i32
      %dma_wait3A_105 = tpu.memref_slice %arg12[%add3A_58, %dma_wait3A_104] : memref<8200x128xf32, #tpu.memory_space<vmem_shared>> -> memref<64x128xf32, #tpu.memory_space<vmem_shared>>
      tpu.wait_dma2 semaphore(%arg15 : memref<!tpu.dma_semaphore, #tpu.memory_space<semaphore_mem>>) src(%arg11 : memref<64x128xf32, #tpu.memory_space<vmem>>) dst(%dma_wait3A_105 : memref<64x128xf32, #tpu.memory_space<vmem_shared>>)
      %dma_wait3A_106 = arith.constant 0 : i32
      %dma_wait3A_107 = tpu.memref_slice %arg12[%add3A_66, %dma_wait3A_106] : memref<8200x128xf32, #tpu.memory_space<vmem_shared>> -> memref<64x128xf32, #tpu.memory_space<vmem_shared>>
      %dma_wait3A_108 = arith.constant 0 : i32
      %dma_wait3A_109 = tpu.memref_slice %arg12[%add3A_66, %dma_wait3A_108] : memref<8200x128xf32, #tpu.memory_space<vmem_shared>> -> memref<64x128xf32, #tpu.memory_space<vmem_shared>>
      tpu.wait_dma2 semaphore(%arg15 : memref<!tpu.dma_semaphore, #tpu.memory_space<semaphore_mem>>) src(%arg11 : memref<64x128xf32, #tpu.memory_space<vmem>>) dst(%dma_wait3A_109 : memref<64x128xf32, #tpu.memory_space<vmem_shared>>)
      %dma_wait3A_110 = arith.constant 0 : i32
      %dma_wait3A_111 = tpu.memref_slice %arg12[%add3A_74, %dma_wait3A_110] : memref<8200x128xf32, #tpu.memory_space<vmem_shared>> -> memref<64x128xf32, #tpu.memory_space<vmem_shared>>
      %dma_wait3A_112 = arith.constant 0 : i32
      %dma_wait3A_113 = tpu.memref_slice %arg12[%add3A_74, %dma_wait3A_112] : memref<8200x128xf32, #tpu.memory_space<vmem_shared>> -> memref<64x128xf32, #tpu.memory_space<vmem_shared>>
      tpu.wait_dma2 semaphore(%arg15 : memref<!tpu.dma_semaphore, #tpu.memory_space<semaphore_mem>>) src(%arg11 : memref<64x128xf32, #tpu.memory_space<vmem>>) dst(%dma_wait3A_113 : memref<64x128xf32, #tpu.memory_space<vmem_shared>>)
      %dma_wait3A_114 = arith.constant 0 : i32
      %dma_wait3A_115 = tpu.memref_slice %arg12[%add3A_82, %dma_wait3A_114] : memref<8200x128xf32, #tpu.memory_space<vmem_shared>> -> memref<64x128xf32, #tpu.memory_space<vmem_shared>>
      %dma_wait3A_116 = arith.constant 0 : i32
      %dma_wait3A_117 = tpu.memref_slice %arg12[%add3A_82, %dma_wait3A_116] : memref<8200x128xf32, #tpu.memory_space<vmem_shared>> -> memref<64x128xf32, #tpu.memory_space<vmem_shared>>
      tpu.wait_dma2 semaphore(%arg15 : memref<!tpu.dma_semaphore, #tpu.memory_space<semaphore_mem>>) src(%arg11 : memref<64x128xf32, #tpu.memory_space<vmem>>) dst(%dma_wait3A_117 : memref<64x128xf32, #tpu.memory_space<vmem_shared>>)
      %barrier3A = arith.constant 0 : index
      tpu.barrier barrier_id(%barrier3A)
      %scan3A_118 = arith.constant 0 : i32
      %scan3A_119 = arith.constant 0 : i32
      %scan3A_120 = arith.constant 0 : i32
      %scan3A_121 = arith.constant 8 : i32
      %scan3A_122 = arith.addi %scan3A_120, %scan3A_121 : i32
      %scan3A_123 = arith.constant 1 : i32
      %scan3A_124:2 = scf.for %scan3A_263 = %scan3A_120 to %scan3A_122 step %scan3A_123 iter_args(%scan3A_264 = %scan3A_118, %scan3A_265 = %scan3A_119) -> (i32, i32)  : i32 {
        %mul3A_266 = arith.constant 2048 : i32
        %mul3A_267 = arith.muli %scan3A_263, %mul3A_266 : i32
        %mul3A_268 = arith.constant 16384 : i32
        %mul3A_269 = arith.muli %arg1, %mul3A_268 : i32
        %add3A_270 = arith.addi %mul3A_269, %mul3A_267 : i32
        %broadcast_in_dim3A_271 = vector.broadcast %scan3A_264 : i32 to vector<16xi32>
        %scan3A_272 = arith.constant 0 : i32
        %scan3A_273 = arith.constant 128 : i32
        %scan3A_274 = arith.addi %scan3A_272, %scan3A_273 : i32
        %scan3A_275 = arith.constant 1 : i32
        %scan3A_276 = scf.for %scan3A_332 = %scan3A_272 to %scan3A_274 step %scan3A_275 iter_args(%scan3A_333 = %broadcast_in_dim3A_271) -> (vector<16xi32>)  : i32 {
          %mul3A_334 = arith.constant 16 : i32
          %mul3A_335 = arith.muli %scan3A_332, %mul3A_334 : i32
          %add3A_336 = arith.addi %mul3A_267, %mul3A_335 : i32
          %get3A_337 = arith.index_cast %add3A_336 : i32 to index
          %get3A_338 = tpu.vector_load %arg5[%get3A_337] {strides = array<i32>} : memref<16384xi32, #tpu.memory_space<vmem>>, vector<16xi32>,
          %ge3A_339 = vector.broadcast %mul3A_21 : i32 to vector<16xi32>
          %ge3A_340 = arith.cmpi sge, %get3A_338, %ge3A_339 : vector<16xi32>
          %lt3A = vector.broadcast %add3A_23 : i32 to vector<16xi32>
          %lt3A_341 = arith.cmpi slt, %get3A_338, %lt3A : vector<16xi32>
          %and3A_342 = arith.andi %ge3A_340, %lt3A_341 : vector<16xi1>
          %mul3A_343 = arith.constant 16 : i32
          %mul3A_344 = arith.muli %scan3A_332, %mul3A_343 : i32
          %add3A_345 = arith.addi %add3A_270, %mul3A_344 : i32
          %add3A_346 = vector.broadcast %add3A_345 : i32 to vector<16xi32>
          %add3A_347 = arith.addi %add3A_346, %iota3A : vector<16xi32>
          %all_reduce_population_count3A = tpu.all_reduce %and3A_342 {dim = 0 : i64, kind = #tpu.reduction_kind<sum>} : vector<16xi1> -> vector<16xi32>
          %jit3A_348 = arith.constant 1 : i32
          %jit3A_349 = arith.constant 0 : i32
          %broadcast_in_dim3A_350 = vector.broadcast %jit3A_348 : i32 to vector<16xi32>
          %broadcast_in_dim3A_351 = vector.broadcast %jit3A_349 : i32 to vector<16xi32>
          %select_n3A_352 = arith.select %and3A_342, %broadcast_in_dim3A_350, %broadcast_in_dim3A_351 : vector<16xi1>, vector<16xi32>
          %cumsum3A = arith.constant true
          %cumsum3A_353 = vector.broadcast %cumsum3A : i1 to vector<16xi1>
          %cumsum3A_354 = tpu.scan <sum>, %select_n3A_352 masked %cumsum3A_353 : vector<16xi32>, vector<16xi1> -> vector<16xi32>
          %add3A_355 = arith.addi %scan3A_333, %cumsum3A_354 : vector<16xi32>
          %sub3A_356 = arith.constant 1 : i32
          %sub3A_357 = vector.broadcast %sub3A_356 : i32 to vector<16xi32>
          %sub3A_358 = arith.subi %add3A_355, %sub3A_357 : vector<16xi32>
          tpu.vector_store_idx %arg6[%sub3A_358], %add3A_347 masked %and3A_342 : memref<2112xi32, #tpu.memory_space<vmem>>[vector<16xi32>], vector<16xi32>, vector<16xi1>
          %sub3A_359 = vector.broadcast %mul3A_21 : i32 to vector<16xi32>
          %sub3A_360 = arith.subi %get3A_338, %sub3A_359 : vector<16xi32>
          tpu.vector_store_idx %arg7[%sub3A_358], %sub3A_360 masked %and3A_342 : memref<2112xi32, #tpu.memory_space<vmem>>[vector<16xi32>], vector<16xi32>, vector<16xi1>
          %add3A_361 = arith.addi %scan3A_333, %all_reduce_population_count3A : vector<16xi32>
          scf.yield %add3A_361 : vector<16xi32>
        }
        %scan3A_277 = arith.constant 128 : i32
        %slice3A = vector.extract_strided_slice %scan3A_276 {offsets = [0], sizes = [1], strides = [1]} : vector<16xi32> to vector<1xi32>
        %squeeze3A = vector.extract %slice3A[0] : i32 from vector<1xi32>
        %jit3A = arith.constant 32 : i32
        %div3A = arith.divsi %squeeze3A, %jit3A : i32
        %sign3A = arith.constant 0 : i32
        %sign3A_278 = arith.cmpi sgt, %squeeze3A, %sign3A : i32
        %sign3A_279 = arith.extui %sign3A_278 : i1 to i32
        %sign3A_280 = arith.constant 0 : i32
        %sign3A_281 = arith.cmpi slt, %squeeze3A, %sign3A_280 : i32
        %sign3A_282 = arith.extui %sign3A_281 : i1 to i32
        %sign3A_283 = arith.subi %sign3A_279, %sign3A_282 : i32
        %sign3A_284 = arith.constant 0 : i32
        %sign3A_285 = arith.cmpi sgt, %jit3A, %sign3A_284 : i32
        %sign3A_286 = arith.extui %sign3A_285 : i1 to i32
        %sign3A_287 = arith.constant 0 : i32
        %sign3A_288 = arith.cmpi slt, %jit3A, %sign3A_287 : i32
        %sign3A_289 = arith.extui %sign3A_288 : i1 to i32
        %sign3A_290 = arith.subi %sign3A_286, %sign3A_289 : i32
        %ne3A = arith.cmpi ne, %sign3A_283, %sign3A_290 : i32
        %rem3A_291 = arith.remsi %squeeze3A, %jit3A : i32
        %ne3A_292 = arith.constant 0 : i32
        %ne3A_293 = arith.cmpi ne, %rem3A_291, %ne3A_292 : i32
        %and3A = arith.andi %ne3A, %ne3A_293 : i1
        %sub3A = arith.constant 1 : i32
        %sub3A_294 = arith.subi %div3A, %sub3A : i32
        %select_n3A = arith.select %and3A, %sub3A_294, %div3A : i32
        %while3A = arith.constant 0 : i32
        %while3A_295 = arith.subi %select_n3A, %while3A : i32
        %while3A_296 = arith.addi %while3A, %while3A_295 : i32
        %while3A_297 = arith.constant 1 : i32
        %while3A_298 = arith.divsi %while3A_295, %while3A_297 : i32
        %while3A_299 = arith.muli %while3A_298, %while3A_297 : i32
        %while3A_300 = arith.addi %while3A, %while3A_299 : i32
        %while3A_301 = arith.constant 1 : i32
        %while3A_302 = scf.for %while3A_332 = %while3A to %while3A_300 step %while3A_301 iter_args(%while3A_333 = %scan3A_265) -> (i32)  : i32 {
          %rem3A_334 = arith.constant 8 : i32
          %rem3A_335 = arith.remsi %while3A_333, %rem3A_334 : i32
          %ge3A_336 = arith.constant 7 : i32
          %ge3A_337 = arith.cmpi sge, %while3A_333, %ge3A_336 : i32
          %convert_element_type3A_338 = arith.extui %ge3A_337 : i1 to i32
          %cond3A_339 = arith.constant 0 : i32
          %cond3A_340 = arith.cmpi ne, %convert_element_type3A_338, %cond3A_339 : i32
          scf.if %cond3A_340 {
            %sub3A_396 = arith.constant 7 : i32
            %sub3A_397 = arith.subi %while3A_333, %sub3A_396 : i32
            %rem3A_398 = arith.constant 8 : i32
            %rem3A_399 = arith.remsi %sub3A_397, %rem3A_398 : i32
            %dma_wait3A_400 = arith.constant 0 : i32
            %dma_wait3A_401 = arith.constant 0 : i32
            %dma_wait3A_402 = tpu.memref_slice %arg10[%rem3A_399, %dma_wait3A_400, %dma_wait3A_401] : memref<8x32x128xf32, #tpu.memory_space<vmem>> -> memref<1x32x128xf32, #tpu.memory_space<vmem>>
            %dma_wait3A_403 = tpu.memref_squeeze %dma_wait3A_402 : memref<1x32x128xf32, #tpu.memory_space<vmem>> -> memref<32x128xf32, #tpu.memory_space<vmem>>
            %dma_wait3A_404 = arith.constant 0 : i32
            %dma_wait3A_405 = arith.constant 0 : i32
            %dma_wait3A_406 = tpu.memref_slice %arg2[%dma_wait3A_404, %dma_wait3A_405] : memref<262144x128xf32, #tpu.memory_space<hbm>> -> memref<32x128xf32, #tpu.memory_space<hbm>>
            %dma_wait3A_407 = tpu.memref_slice %arg13[%rem3A_399] : memref<8x!tpu.dma_semaphore, #tpu.memory_space<semaphore_mem>> -> memref<1x!tpu.dma_semaphore, #tpu.memory_space<semaphore_mem>>
            %dma_wait3A_408 = tpu.memref_squeeze %dma_wait3A_407 : memref<1x!tpu.dma_semaphore, #tpu.memory_space<semaphore_mem>> -> memref<!tpu.dma_semaphore, #tpu.memory_space<semaphore_mem>>
            %dma_wait3A_409 = arith.constant 0 : i32
            %dma_wait3A_410 = arith.constant 0 : i32
            %dma_wait3A_411 = tpu.memref_slice %arg10[%rem3A_399, %dma_wait3A_409, %dma_wait3A_410] : memref<8x32x128xf32, #tpu.memory_space<vmem>> -> memref<1x32x128xf32, #tpu.memory_space<vmem>>
            %dma_wait3A_412 = tpu.memref_squeeze %dma_wait3A_411 : memref<1x32x128xf32, #tpu.memory_space<vmem>> -> memref<32x128xf32, #tpu.memory_space<vmem>>
            %dma_wait3A_413 = arith.constant 0 : i32
            %dma_wait3A_414 = arith.constant 0 : i32
            %dma_wait3A_415 = tpu.memref_slice %arg2[%dma_wait3A_413, %dma_wait3A_414] : memref<262144x128xf32, #tpu.memory_space<hbm>> -> memref<32x128xf32, #tpu.memory_space<hbm>>
            tpu.wait_dma2 semaphore(%dma_wait3A_408 : memref<!tpu.dma_semaphore, #tpu.memory_space<semaphore_mem>>) src(%dma_wait3A_415 : memref<32x128xf32, #tpu.memory_space<hbm>>) dst(%dma_wait3A_412 : memref<32x128xf32, #tpu.memory_space<vmem>>)
            %dma_start3A_416 = arith.constant 0 : i32
            %dma_start3A_417 = arith.constant 0 : i32
            %dma_start3A_418 = tpu.memref_slice %arg10[%rem3A_399, %dma_start3A_416, %dma_start3A_417] : memref<8x32x128xf32, #tpu.memory_space<vmem>> -> memref<1x32x128xf32, #tpu.memory_space<vmem>>
            %dma_start3A_419 = tpu.memref_squeeze %dma_start3A_418 : memref<1x32x128xf32, #tpu.memory_space<vmem>> -> memref<32x128xf32, #tpu.memory_space<vmem>>
            %dma_start3A_420 = arith.constant 0 : i32
            %dma_start3A_421 = tpu.memref_slice %arg8[%rem3A_399, %dma_start3A_420] : memref<8x32xi32, #tpu.memory_space<vmem>> -> memref<1x32xi32, #tpu.memory_space<vmem>>
            %dma_start3A_422 = tpu.memref_squeeze %dma_start3A_421 : memref<1x32xi32, #tpu.memory_space<vmem>> -> memref<32xi32, #tpu.memory_space<vmem>>
            %dma_start3A_423 = arith.constant 0 : i32
            %dma_start3A_424 = arith.constant 0 : i32
            %dma_start3A_425 = tpu.memref_slice %arg12[%dma_start3A_423, %dma_start3A_424] : memref<8200x128xf32, #tpu.memory_space<vmem_shared>> -> memref<8200x128xf32, #tpu.memory_space<vmem_shared>>
            %dma_start3A_426 = tpu.memref_slice %arg14[%rem3A_399] : memref<8x!tpu.dma_semaphore, #tpu.memory_space<semaphore_mem>> -> memref<1x!tpu.dma_semaphore, #tpu.memory_space<semaphore_mem>>
            %dma_start3A_427 = tpu.memref_squeeze %dma_start3A_426 : memref<1x!tpu.dma_semaphore, #tpu.memory_space<semaphore_mem>> -> memref<!tpu.dma_semaphore, #tpu.memory_space<semaphore_mem>>
            tpu.enqueue_indirect_dma source(%dma_start3A_419 : memref<32x128xf32, #tpu.memory_space<vmem>>) target(%dma_start3A_425 : memref<8200x128xf32, #tpu.memory_space<vmem_shared>>) offsets(%dma_start3A_422 : memref<32xi32, #tpu.memory_space<vmem>>) semaphore(%dma_start3A_427 : memref<!tpu.dma_semaphore, #tpu.memory_space<semaphore_mem>>) {add = true}
          } else {
          }
          %ge3A_341 = arith.constant 8 : i32
          %ge3A_342 = arith.cmpi sge, %while3A_333, %ge3A_341 : i32
          %convert_element_type3A_343 = arith.extui %ge3A_342 : i1 to i32
          %cond3A_344 = arith.constant 0 : i32
          %cond3A_345 = arith.cmpi ne, %convert_element_type3A_343, %cond3A_344 : i32
          scf.if %cond3A_345 {
            %dma_wait3A_396 = arith.constant 0 : i32
            %dma_wait3A_397 = arith.constant 0 : i32
            %dma_wait3A_398 = tpu.memref_slice %arg10[%rem3A_335, %dma_wait3A_396, %dma_wait3A_397] : memref<8x32x128xf32, #tpu.memory_space<vmem>> -> memref<1x32x128xf32, #tpu.memory_space<vmem>>
            %dma_wait3A_399 = tpu.memref_squeeze %dma_wait3A_398 : memref<1x32x128xf32, #tpu.memory_space<vmem>> -> memref<32x128xf32, #tpu.memory_space<vmem>>
            %dma_wait3A_400 = arith.constant 0 : i32
            %dma_wait3A_401 = arith.constant 0 : i32
            %dma_wait3A_402 = tpu.memref_slice %arg2[%dma_wait3A_400, %dma_wait3A_401] : memref<262144x128xf32, #tpu.memory_space<hbm>> -> memref<32x128xf32, #tpu.memory_space<hbm>>
            %dma_wait3A_403 = tpu.memref_slice %arg14[%rem3A_335] : memref<8x!tpu.dma_semaphore, #tpu.memory_space<semaphore_mem>> -> memref<1x!tpu.dma_semaphore, #tpu.memory_space<semaphore_mem>>
            %dma_wait3A_404 = tpu.memref_squeeze %dma_wait3A_403 : memref<1x!tpu.dma_semaphore, #tpu.memory_space<semaphore_mem>> -> memref<!tpu.dma_semaphore, #tpu.memory_space<semaphore_mem>>
            %dma_wait3A_405 = arith.constant 0 : i32
            %dma_wait3A_406 = arith.constant 0 : i32
            %dma_wait3A_407 = tpu.memref_slice %arg10[%rem3A_335, %dma_wait3A_405, %dma_wait3A_406] : memref<8x32x128xf32, #tpu.memory_space<vmem>> -> memref<1x32x128xf32, #tpu.memory_space<vmem>>
            %dma_wait3A_408 = tpu.memref_squeeze %dma_wait3A_407 : memref<1x32x128xf32, #tpu.memory_space<vmem>> -> memref<32x128xf32, #tpu.memory_space<vmem>>
            %dma_wait3A_409 = arith.constant 0 : i32
            %dma_wait3A_410 = arith.constant 0 : i32
            %dma_wait3A_411 = tpu.memref_slice %arg2[%dma_wait3A_409, %dma_wait3A_410] : memref<262144x128xf32, #tpu.memory_space<hbm>> -> memref<32x128xf32, #tpu.memory_space<hbm>>
            tpu.wait_dma2 semaphore(%dma_wait3A_404 : memref<!tpu.dma_semaphore, #tpu.memory_space<semaphore_mem>>) src(%dma_wait3A_411 : memref<32x128xf32, #tpu.memory_space<hbm>>) dst(%dma_wait3A_408 : memref<32x128xf32, #tpu.memory_space<vmem>>)
          } else {
          }
          %mul3A_346 = arith.constant 32 : i32
          %mul3A_347 = arith.muli %while3A_332, %mul3A_346 : i32
          %add3A_348 = arith.constant 0 : i32
          %add3A_349 = arith.addi %mul3A_347, %add3A_348 : i32
          %get3A_350 = arith.index_cast %add3A_349 : i32 to index
          %get3A_351 = tpu.vector_load %arg7[%get3A_350] {strides = array<i32>} : memref<2112xi32, #tpu.memory_space<vmem>>, vector<16xi32>,
          %swap3A_352 = arith.index_cast %rem3A_335 : i32 to index
          %swap3A_353 = arith.constant 0 : index
          %swap3A_354 = tpu.vector_load %arg8[%swap3A_352, %swap3A_353] {strides = array<i32>} : memref<8x32xi32, #tpu.memory_space<vmem>>, vector<16xi32>,
          tpu.vector_store %arg8[%swap3A_352, %swap3A_353], %get3A_351 {strides = array<i32>} : memref<8x32xi32, #tpu.memory_space<vmem>>, vector<16xi32>,
          %mul3A_355 = arith.constant 32 : i32
          %mul3A_356 = arith.muli %while3A_332, %mul3A_355 : i32
          %add3A_357 = arith.constant 0 : i32
          %add3A_358 = arith.addi %mul3A_356, %add3A_357 : i32
          %get3A_359 = arith.index_cast %add3A_358 : i32 to index
          %get3A_360 = tpu.vector_load %arg6[%get3A_359] {strides = array<i32>} : memref<2112xi32, #tpu.memory_space<vmem>>, vector<16xi32>,
          %swap3A_361 = arith.index_cast %rem3A_335 : i32 to index
          %swap3A_362 = arith.constant 0 : index
          %swap3A_363 = tpu.vector_load %arg9[%swap3A_361, %swap3A_362] {strides = array<i32>} : memref<8x32xi32, #tpu.memory_space<vmem>>, vector<16xi32>,
          tpu.vector_store %arg9[%swap3A_361, %swap3A_362], %get3A_360 {strides = array<i32>} : memref<8x32xi32, #tpu.memory_space<vmem>>, vector<16xi32>,
          %mul3A_364 = arith.constant 32 : i32
          %mul3A_365 = arith.muli %while3A_332, %mul3A_364 : i32
          %add3A_366 = arith.constant 16 : i32
          %add3A_367 = arith.addi %mul3A_365, %add3A_366 : i32
          %get3A_368 = arith.index_cast %add3A_367 : i32 to index
          %get3A_369 = tpu.vector_load %arg7[%get3A_368] {strides = array<i32>} : memref<2112xi32, #tpu.memory_space<vmem>>, vector<16xi32>,
          %swap3A_370 = arith.index_cast %rem3A_335 : i32 to index
          %swap3A_371 = arith.constant 16 : index
          %swap3A_372 = tpu.vector_load %arg8[%swap3A_370, %swap3A_371] {strides = array<i32>} : memref<8x32xi32, #tpu.memory_space<vmem>>, vector<16xi32>,
          tpu.vector_store %arg8[%swap3A_370, %swap3A_371], %get3A_369 {strides = array<i32>} : memref<8x32xi32, #tpu.memory_space<vmem>>, vector<16xi32>,
          %mul3A_373 = arith.constant 32 : i32
          %mul3A_374 = arith.muli %while3A_332, %mul3A_373 : i32
          %add3A_375 = arith.constant 16 : i32
          %add3A_376 = arith.addi %mul3A_374, %add3A_375 : i32
          %get3A_377 = arith.index_cast %add3A_376 : i32 to index
          %get3A_378 = tpu.vector_load %arg6[%get3A_377] {strides = array<i32>} : memref<2112xi32, #tpu.memory_space<vmem>>, vector<16xi32>,
          %swap3A_379 = arith.index_cast %rem3A_335 : i32 to index
          %swap3A_380 = arith.constant 16 : index
          %swap3A_381 = tpu.vector_load %arg9[%swap3A_379, %swap3A_380] {strides = array<i32>} : memref<8x32xi32, #tpu.memory_space<vmem>>, vector<16xi32>,
          tpu.vector_store %arg9[%swap3A_379, %swap3A_380], %get3A_378 {strides = array<i32>} : memref<8x32xi32, #tpu.memory_space<vmem>>, vector<16xi32>,
          %dma_start3A_382 = arith.constant 0 : i32
          %dma_start3A_383 = arith.constant 0 : i32
          %dma_start3A_384 = tpu.memref_slice %arg10[%rem3A_335, %dma_start3A_382, %dma_start3A_383] : memref<8x32x128xf32, #tpu.memory_space<vmem>> -> memref<1x32x128xf32, #tpu.memory_space<vmem>>
          %dma_start3A_385 = tpu.memref_squeeze %dma_start3A_384 : memref<1x32x128xf32, #tpu.memory_space<vmem>> -> memref<32x128xf32, #tpu.memory_space<vmem>>
          %dma_start3A_386 = arith.constant 0 : i32
          %dma_start3A_387 = tpu.memref_slice %arg9[%rem3A_335, %dma_start3A_386] : memref<8x32xi32, #tpu.memory_space<vmem>> -> memref<1x32xi32, #tpu.memory_space<vmem>>
          %dma_start3A_388 = tpu.memref_squeeze %dma_start3A_387 : memref<1x32xi32, #tpu.memory_space<vmem>> -> memref<32xi32, #tpu.memory_space<vmem>>
          %dma_start3A_389 = arith.constant 0 : i32
          %dma_start3A_390 = arith.constant 0 : i32
          %dma_start3A_391 = tpu.memref_slice %arg2[%dma_start3A_389, %dma_start3A_390] : memref<262144x128xf32, #tpu.memory_space<hbm>> -> memref<262144x128xf32, #tpu.memory_space<hbm>>
          %dma_start3A_392 = tpu.memref_slice %arg13[%rem3A_335] : memref<8x!tpu.dma_semaphore, #tpu.memory_space<semaphore_mem>> -> memref<1x!tpu.dma_semaphore, #tpu.memory_space<semaphore_mem>>
          %dma_start3A_393 = tpu.memref_squeeze %dma_start3A_392 : memref<1x!tpu.dma_semaphore, #tpu.memory_space<semaphore_mem>> -> memref<!tpu.dma_semaphore, #tpu.memory_space<semaphore_mem>>
          tpu.enqueue_indirect_dma source(%dma_start3A_391 : memref<262144x128xf32, #tpu.memory_space<hbm>>) target(%dma_start3A_385 : memref<32x128xf32, #tpu.memory_space<vmem>>) offsets(%dma_start3A_388 : memref<32xi32, #tpu.memory_space<vmem>>) semaphore(%dma_start3A_393 : memref<!tpu.dma_semaphore, #tpu.memory_space<semaphore_mem>>)
          %add3A_394 = arith.constant 1 : i32
          %add3A_395 = arith.addi %while3A_333, %add3A_394 : i32
          scf.yield %add3A_395 : i32
        }
        %while3A_303 = arith.constant 1 : i32
        %while3A_304 = scf.for %while3A_332 = %while3A_300 to %while3A_296 step %while3A_303 iter_args(%while3A_333 = %while3A_302) -> (i32)  : i32 {
          %rem3A_334 = arith.constant 8 : i32
          %rem3A_335 = arith.remsi %while3A_333, %rem3A_334 : i32
          %ge3A_336 = arith.constant 7 : i32
          %ge3A_337 = arith.cmpi sge, %while3A_333, %ge3A_336 : i32
          %convert_element_type3A_338 = arith.extui %ge3A_337 : i1 to i32
          %cond3A_339 = arith.constant 0 : i32
          %cond3A_340 = arith.cmpi ne, %convert_element_type3A_338, %cond3A_339 : i32
          scf.if %cond3A_340 {
            %sub3A_396 = arith.constant 7 : i32
            %sub3A_397 = arith.subi %while3A_333, %sub3A_396 : i32
            %rem3A_398 = arith.constant 8 : i32
            %rem3A_399 = arith.remsi %sub3A_397, %rem3A_398 : i32
            %dma_wait3A_400 = arith.constant 0 : i32
            %dma_wait3A_401 = arith.constant 0 : i32
            %dma_wait3A_402 = tpu.memref_slice %arg10[%rem3A_399, %dma_wait3A_400, %dma_wait3A_401] : memref<8x32x128xf32, #tpu.memory_space<vmem>> -> memref<1x32x128xf32, #tpu.memory_space<vmem>>
            %dma_wait3A_403 = tpu.memref_squeeze %dma_wait3A_402 : memref<1x32x128xf32, #tpu.memory_space<vmem>> -> memref<32x128xf32, #tpu.memory_space<vmem>>
            %dma_wait3A_404 = arith.constant 0 : i32
            %dma_wait3A_405 = arith.constant 0 : i32
            %dma_wait3A_406 = tpu.memref_slice %arg2[%dma_wait3A_404, %dma_wait3A_405] : memref<262144x128xf32, #tpu.memory_space<hbm>> -> memref<32x128xf32, #tpu.memory_space<hbm>>
            %dma_wait3A_407 = tpu.memref_slice %arg13[%rem3A_399] : memref<8x!tpu.dma_semaphore, #tpu.memory_space<semaphore_mem>> -> memref<1x!tpu.dma_semaphore, #tpu.memory_space<semaphore_mem>>
            %dma_wait3A_408 = tpu.memref_squeeze %dma_wait3A_407 : memref<1x!tpu.dma_semaphore, #tpu.memory_space<semaphore_mem>> -> memref<!tpu.dma_semaphore, #tpu.memory_space<semaphore_mem>>
            %dma_wait3A_409 = arith.constant 0 : i32
            %dma_wait3A_410 = arith.constant 0 : i32
            %dma_wait3A_411 = tpu.memref_slice %arg10[%rem3A_399, %dma_wait3A_409, %dma_wait3A_410] : memref<8x32x128xf32, #tpu.memory_space<vmem>> -> memref<1x32x128xf32, #tpu.memory_space<vmem>>
            %dma_wait3A_412 = tpu.memref_squeeze %dma_wait3A_411 : memref<1x32x128xf32, #tpu.memory_space<vmem>> -> memref<32x128xf32, #tpu.memory_space<vmem>>
            %dma_wait3A_413 = arith.constant 0 : i32
            %dma_wait3A_414 = arith.constant 0 : i32
            %dma_wait3A_415 = tpu.memref_slice %arg2[%dma_wait3A_413, %dma_wait3A_414] : memref<262144x128xf32, #tpu.memory_space<hbm>> -> memref<32x128xf32, #tpu.memory_space<hbm>>
            tpu.wait_dma2 semaphore(%dma_wait3A_408 : memref<!tpu.dma_semaphore, #tpu.memory_space<semaphore_mem>>) src(%dma_wait3A_415 : memref<32x128xf32, #tpu.memory_space<hbm>>) dst(%dma_wait3A_412 : memref<32x128xf32, #tpu.memory_space<vmem>>)
            %dma_start3A_416 = arith.constant 0 : i32
            %dma_start3A_417 = arith.constant 0 : i32
            %dma_start3A_418 = tpu.memref_slice %arg10[%rem3A_399, %dma_start3A_416, %dma_start3A_417] : memref<8x32x128xf32, #tpu.memory_space<vmem>> -> memref<1x32x128xf32, #tpu.memory_space<vmem>>
            %dma_start3A_419 = tpu.memref_squeeze %dma_start3A_418 : memref<1x32x128xf32, #tpu.memory_space<vmem>> -> memref<32x128xf32, #tpu.memory_space<vmem>>
            %dma_start3A_420 = arith.constant 0 : i32
            %dma_start3A_421 = tpu.memref_slice %arg8[%rem3A_399, %dma_start3A_420] : memref<8x32xi32, #tpu.memory_space<vmem>> -> memref<1x32xi32, #tpu.memory_space<vmem>>
            %dma_start3A_422 = tpu.memref_squeeze %dma_start3A_421 : memref<1x32xi32, #tpu.memory_space<vmem>> -> memref<32xi32, #tpu.memory_space<vmem>>
            %dma_start3A_423 = arith.constant 0 : i32
            %dma_start3A_424 = arith.constant 0 : i32
            %dma_start3A_425 = tpu.memref_slice %arg12[%dma_start3A_423, %dma_start3A_424] : memref<8200x128xf32, #tpu.memory_space<vmem_shared>> -> memref<8200x128xf32, #tpu.memory_space<vmem_shared>>
            %dma_start3A_426 = tpu.memref_slice %arg14[%rem3A_399] : memref<8x!tpu.dma_semaphore, #tpu.memory_space<semaphore_mem>> -> memref<1x!tpu.dma_semaphore, #tpu.memory_space<semaphore_mem>>
            %dma_start3A_427 = tpu.memref_squeeze %dma_start3A_426 : memref<1x!tpu.dma_semaphore, #tpu.memory_space<semaphore_mem>> -> memref<!tpu.dma_semaphore, #tpu.memory_space<semaphore_mem>>
            tpu.enqueue_indirect_dma source(%dma_start3A_419 : memref<32x128xf32, #tpu.memory_space<vmem>>) target(%dma_start3A_425 : memref<8200x128xf32, #tpu.memory_space<vmem_shared>>) offsets(%dma_start3A_422 : memref<32xi32, #tpu.memory_space<vmem>>) semaphore(%dma_start3A_427 : memref<!tpu.dma_semaphore, #tpu.memory_space<semaphore_mem>>) {add = true}
          } else {
          }
          %ge3A_341 = arith.constant 8 : i32
          %ge3A_342 = arith.cmpi sge, %while3A_333, %ge3A_341 : i32
          %convert_element_type3A_343 = arith.extui %ge3A_342 : i1 to i32
          %cond3A_344 = arith.constant 0 : i32
          %cond3A_345 = arith.cmpi ne, %convert_element_type3A_343, %cond3A_344 : i32
          scf.if %cond3A_345 {
            %dma_wait3A_396 = arith.constant 0 : i32
            %dma_wait3A_397 = arith.constant 0 : i32
            %dma_wait3A_398 = tpu.memref_slice %arg10[%rem3A_335, %dma_wait3A_396, %dma_wait3A_397] : memref<8x32x128xf32, #tpu.memory_space<vmem>> -> memref<1x32x128xf32, #tpu.memory_space<vmem>>
            %dma_wait3A_399 = tpu.memref_squeeze %dma_wait3A_398 : memref<1x32x128xf32, #tpu.memory_space<vmem>> -> memref<32x128xf32, #tpu.memory_space<vmem>>
            %dma_wait3A_400 = arith.constant 0 : i32
            %dma_wait3A_401 = arith.constant 0 : i32
            %dma_wait3A_402 = tpu.memref_slice %arg2[%dma_wait3A_400, %dma_wait3A_401] : memref<262144x128xf32, #tpu.memory_space<hbm>> -> memref<32x128xf32, #tpu.memory_space<hbm>>
            %dma_wait3A_403 = tpu.memref_slice %arg14[%rem3A_335] : memref<8x!tpu.dma_semaphore, #tpu.memory_space<semaphore_mem>> -> memref<1x!tpu.dma_semaphore, #tpu.memory_space<semaphore_mem>>
            %dma_wait3A_404 = tpu.memref_squeeze %dma_wait3A_403 : memref<1x!tpu.dma_semaphore, #tpu.memory_space<semaphore_mem>> -> memref<!tpu.dma_semaphore, #tpu.memory_space<semaphore_mem>>
            %dma_wait3A_405 = arith.constant 0 : i32
            %dma_wait3A_406 = arith.constant 0 : i32
            %dma_wait3A_407 = tpu.memref_slice %arg10[%rem3A_335, %dma_wait3A_405, %dma_wait3A_406] : memref<8x32x128xf32, #tpu.memory_space<vmem>> -> memref<1x32x128xf32, #tpu.memory_space<vmem>>
            %dma_wait3A_408 = tpu.memref_squeeze %dma_wait3A_407 : memref<1x32x128xf32, #tpu.memory_space<vmem>> -> memref<32x128xf32, #tpu.memory_space<vmem>>
            %dma_wait3A_409 = arith.constant 0 : i32
            %dma_wait3A_410 = arith.constant 0 : i32
            %dma_wait3A_411 = tpu.memref_slice %arg2[%dma_wait3A_409, %dma_wait3A_410] : memref<262144x128xf32, #tpu.memory_space<hbm>> -> memref<32x128xf32, #tpu.memory_space<hbm>>
            tpu.wait_dma2 semaphore(%dma_wait3A_404 : memref<!tpu.dma_semaphore, #tpu.memory_space<semaphore_mem>>) src(%dma_wait3A_411 : memref<32x128xf32, #tpu.memory_space<hbm>>) dst(%dma_wait3A_408 : memref<32x128xf32, #tpu.memory_space<vmem>>)
          } else {
          }
          %mul3A_346 = arith.constant 32 : i32
          %mul3A_347 = arith.muli %while3A_332, %mul3A_346 : i32
          %add3A_348 = arith.constant 0 : i32
          %add3A_349 = arith.addi %mul3A_347, %add3A_348 : i32
          %get3A_350 = arith.index_cast %add3A_349 : i32 to index
          %get3A_351 = tpu.vector_load %arg7[%get3A_350] {strides = array<i32>} : memref<2112xi32, #tpu.memory_space<vmem>>, vector<16xi32>,
          %swap3A_352 = arith.index_cast %rem3A_335 : i32 to index
          %swap3A_353 = arith.constant 0 : index
          %swap3A_354 = tpu.vector_load %arg8[%swap3A_352, %swap3A_353] {strides = array<i32>} : memref<8x32xi32, #tpu.memory_space<vmem>>, vector<16xi32>,
          tpu.vector_store %arg8[%swap3A_352, %swap3A_353], %get3A_351 {strides = array<i32>} : memref<8x32xi32, #tpu.memory_space<vmem>>, vector<16xi32>,
          %mul3A_355 = arith.constant 32 : i32
          %mul3A_356 = arith.muli %while3A_332, %mul3A_355 : i32
          %add3A_357 = arith.constant 0 : i32
          %add3A_358 = arith.addi %mul3A_356, %add3A_357 : i32
          %get3A_359 = arith.index_cast %add3A_358 : i32 to index
          %get3A_360 = tpu.vector_load %arg6[%get3A_359] {strides = array<i32>} : memref<2112xi32, #tpu.memory_space<vmem>>, vector<16xi32>,
          %swap3A_361 = arith.index_cast %rem3A_335 : i32 to index
          %swap3A_362 = arith.constant 0 : index
          %swap3A_363 = tpu.vector_load %arg9[%swap3A_361, %swap3A_362] {strides = array<i32>} : memref<8x32xi32, #tpu.memory_space<vmem>>, vector<16xi32>,
          tpu.vector_store %arg9[%swap3A_361, %swap3A_362], %get3A_360 {strides = array<i32>} : memref<8x32xi32, #tpu.memory_space<vmem>>, vector<16xi32>,
          %mul3A_364 = arith.constant 32 : i32
          %mul3A_365 = arith.muli %while3A_332, %mul3A_364 : i32
          %add3A_366 = arith.constant 16 : i32
          %add3A_367 = arith.addi %mul3A_365, %add3A_366 : i32
          %get3A_368 = arith.index_cast %add3A_367 : i32 to index
          %get3A_369 = tpu.vector_load %arg7[%get3A_368] {strides = array<i32>} : memref<2112xi32, #tpu.memory_space<vmem>>, vector<16xi32>,
          %swap3A_370 = arith.index_cast %rem3A_335 : i32 to index
          %swap3A_371 = arith.constant 16 : index
          %swap3A_372 = tpu.vector_load %arg8[%swap3A_370, %swap3A_371] {strides = array<i32>} : memref<8x32xi32, #tpu.memory_space<vmem>>, vector<16xi32>,
          tpu.vector_store %arg8[%swap3A_370, %swap3A_371], %get3A_369 {strides = array<i32>} : memref<8x32xi32, #tpu.memory_space<vmem>>, vector<16xi32>,
          %mul3A_373 = arith.constant 32 : i32
          %mul3A_374 = arith.muli %while3A_332, %mul3A_373 : i32
          %add3A_375 = arith.constant 16 : i32
          %add3A_376 = arith.addi %mul3A_374, %add3A_375 : i32
          %get3A_377 = arith.index_cast %add3A_376 : i32 to index
          %get3A_378 = tpu.vector_load %arg6[%get3A_377] {strides = array<i32>} : memref<2112xi32, #tpu.memory_space<vmem>>, vector<16xi32>,
          %swap3A_379 = arith.index_cast %rem3A_335 : i32 to index
          %swap3A_380 = arith.constant 16 : index
          %swap3A_381 = tpu.vector_load %arg9[%swap3A_379, %swap3A_380] {strides = array<i32>} : memref<8x32xi32, #tpu.memory_space<vmem>>, vector<16xi32>,
          tpu.vector_store %arg9[%swap3A_379, %swap3A_380], %get3A_378 {strides = array<i32>} : memref<8x32xi32, #tpu.memory_space<vmem>>, vector<16xi32>,
          %dma_start3A_382 = arith.constant 0 : i32
          %dma_start3A_383 = arith.constant 0 : i32
          %dma_start3A_384 = tpu.memref_slice %arg10[%rem3A_335, %dma_start3A_382, %dma_start3A_383] : memref<8x32x128xf32, #tpu.memory_space<vmem>> -> memref<1x32x128xf32, #tpu.memory_space<vmem>>
          %dma_start3A_385 = tpu.memref_squeeze %dma_start3A_384 : memref<1x32x128xf32, #tpu.memory_space<vmem>> -> memref<32x128xf32, #tpu.memory_space<vmem>>
          %dma_start3A_386 = arith.constant 0 : i32
          %dma_start3A_387 = tpu.memref_slice %arg9[%rem3A_335, %dma_start3A_386] : memref<8x32xi32, #tpu.memory_space<vmem>> -> memref<1x32xi32, #tpu.memory_space<vmem>>
          %dma_start3A_388 = tpu.memref_squeeze %dma_start3A_387 : memref<1x32xi32, #tpu.memory_space<vmem>> -> memref<32xi32, #tpu.memory_space<vmem>>
          %dma_start3A_389 = arith.constant 0 : i32
          %dma_start3A_390 = arith.constant 0 : i32
          %dma_start3A_391 = tpu.memref_slice %arg2[%dma_start3A_389, %dma_start3A_390] : memref<262144x128xf32, #tpu.memory_space<hbm>> -> memref<262144x128xf32, #tpu.memory_space<hbm>>
          %dma_start3A_392 = tpu.memref_slice %arg13[%rem3A_335] : memref<8x!tpu.dma_semaphore, #tpu.memory_space<semaphore_mem>> -> memref<1x!tpu.dma_semaphore, #tpu.memory_space<semaphore_mem>>
          %dma_start3A_393 = tpu.memref_squeeze %dma_start3A_392 : memref<1x!tpu.dma_semaphore, #tpu.memory_space<semaphore_mem>> -> memref<!tpu.dma_semaphore, #tpu.memory_space<semaphore_mem>>
          tpu.enqueue_indirect_dma source(%dma_start3A_391 : memref<262144x128xf32, #tpu.memory_space<hbm>>) target(%dma_start3A_385 : memref<32x128xf32, #tpu.memory_space<vmem>>) offsets(%dma_start3A_388 : memref<32xi32, #tpu.memory_space<vmem>>) semaphore(%dma_start3A_393 : memref<!tpu.dma_semaphore, #tpu.memory_space<semaphore_mem>>)
          %add3A_394 = arith.constant 1 : i32
          %add3A_395 = arith.addi %while3A_333, %add3A_394 : i32
          scf.yield %add3A_395 : i32
        }
        %mul3A_305 = arith.constant 32 : i32
        %mul3A_306 = arith.muli %select_n3A, %mul3A_305 : i32
        %add3A_307 = arith.constant 0 : i32
        %add3A_308 = arith.addi %mul3A_306, %add3A_307 : i32
        %get3A_309 = arith.index_cast %add3A_308 : i32 to index
        %get3A_310 = tpu.vector_load %arg6[%get3A_309] {strides = array<i32>} : memref<2112xi32, #tpu.memory_space<vmem>>, vector<16xi32>,
        %swap3A_311 = arith.constant 0 : index
        %swap3A_312 = tpu.vector_load %arg6[%swap3A_311] {strides = array<i32>} : memref<2112xi32, #tpu.memory_space<vmem>>, vector<16xi32>,
        tpu.vector_store %arg6[%swap3A_311], %get3A_310 {strides = array<i32>} : memref<2112xi32, #tpu.memory_space<vmem>>, vector<16xi32>,
        %add3A_313 = arith.constant 0 : i32
        %add3A_314 = arith.addi %mul3A_306, %add3A_313 : i32
        %get3A_315 = arith.index_cast %add3A_314 : i32 to index
        %get3A_316 = tpu.vector_load %arg7[%get3A_315] {strides = array<i32>} : memref<2112xi32, #tpu.memory_space<vmem>>, vector<16xi32>,
        %swap3A_317 = arith.constant 0 : index
        %swap3A_318 = tpu.vector_load %arg7[%swap3A_317] {strides = array<i32>} : memref<2112xi32, #tpu.memory_space<vmem>>, vector<16xi32>,
        tpu.vector_store %arg7[%swap3A_317], %get3A_316 {strides = array<i32>} : memref<2112xi32, #tpu.memory_space<vmem>>, vector<16xi32>,
        %add3A_319 = arith.constant 16 : i32
        %add3A_320 = arith.addi %mul3A_306, %add3A_319 : i32
        %get3A_321 = arith.index_cast %add3A_320 : i32 to index
        %get3A_322 = tpu.vector_load %arg6[%get3A_321] {strides = array<i32>} : memref<2112xi32, #tpu.memory_space<vmem>>, vector<16xi32>,
        %swap3A_323 = arith.constant 16 : index
        %swap3A_324 = tpu.vector_load %arg6[%swap3A_323] {strides = array<i32>} : memref<2112xi32, #tpu.memory_space<vmem>>, vector<16xi32>,
        tpu.vector_store %arg6[%swap3A_323], %get3A_322 {strides = array<i32>} : memref<2112xi32, #tpu.memory_space<vmem>>, vector<16xi32>,
        %add3A_325 = arith.constant 16 : i32
        %add3A_326 = arith.addi %mul3A_306, %add3A_325 : i32
        %get3A_327 = arith.index_cast %add3A_326 : i32 to index
        %get3A_328 = tpu.vector_load %arg7[%get3A_327] {strides = array<i32>} : memref<2112xi32, #tpu.memory_space<vmem>>, vector<16xi32>,
        %swap3A_329 = arith.constant 16 : index
        %swap3A_330 = tpu.vector_load %arg7[%swap3A_329] {strides = array<i32>} : memref<2112xi32, #tpu.memory_space<vmem>>, vector<16xi32>,
        tpu.vector_store %arg7[%swap3A_329], %get3A_328 {strides = array<i32>} : memref<2112xi32, #tpu.memory_space<vmem>>, vector<16xi32>,
        %sub3A_331 = arith.subi %squeeze3A, %mul3A_306 : i32
        scf.yield %sub3A_331, %while3A_304 : i32, i32
      }
      %scan3A_125 = arith.constant 8 : i32
      %add3A_126 = arith.constant 0 : i32
      %add3A_127 = arith.addi %scan3A_124#0, %add3A_126 : i32
      %swap3A = arith.index_cast %add3A_127 : i32 to index
      %swap3A_128 = tpu.vector_load %arg6[%swap3A] {strides = array<i32>} : memref<2112xi32, #tpu.memory_space<vmem>>, vector<16xi32>,
      tpu.vector_store %arg6[%swap3A], %broadcast_in_dim3A_10 {strides = array<i32>} : memref<2112xi32, #tpu.memory_space<vmem>>, vector<16xi32>,
      %add3A_129 = arith.constant 0 : i32
      %add3A_130 = arith.addi %scan3A_124#0, %add3A_129 : i32
      %swap3A_131 = arith.index_cast %add3A_130 : i32 to index
      %swap3A_132 = tpu.vector_load %arg7[%swap3A_131] {strides = array<i32>} : memref<2112xi32, #tpu.memory_space<vmem>>, vector<16xi32>,
      tpu.vector_store %arg7[%swap3A_131], %broadcast_in_dim3A_8 {strides = array<i32>} : memref<2112xi32, #tpu.memory_space<vmem>>, vector<16xi32>,
      %add3A_133 = arith.constant 16 : i32
      %add3A_134 = arith.addi %scan3A_124#0, %add3A_133 : i32
      %swap3A_135 = arith.index_cast %add3A_134 : i32 to index
      %swap3A_136 = tpu.vector_load %arg6[%swap3A_135] {strides = array<i32>} : memref<2112xi32, #tpu.memory_space<vmem>>, vector<16xi32>,
      tpu.vector_store %arg6[%swap3A_135], %broadcast_in_dim3A_10 {strides = array<i32>} : memref<2112xi32, #tpu.memory_space<vmem>>, vector<16xi32>,
      %add3A_137 = arith.constant 16 : i32
      %add3A_138 = arith.addi %scan3A_124#0, %add3A_137 : i32
      %swap3A_139 = arith.index_cast %add3A_138 : i32 to index
      %swap3A_140 = tpu.vector_load %arg7[%swap3A_139] {strides = array<i32>} : memref<2112xi32, #tpu.memory_space<vmem>>, vector<16xi32>,
      tpu.vector_store %arg7[%swap3A_139], %broadcast_in_dim3A_8 {strides = array<i32>} : memref<2112xi32, #tpu.memory_space<vmem>>, vector<16xi32>,
      %rem3A = arith.constant 8 : i32
      %rem3A_141 = arith.remsi %scan3A_124#1, %rem3A : i32
      %ge3A = arith.constant 7 : i32
      %ge3A_142 = arith.cmpi sge, %scan3A_124#1, %ge3A : i32
      %convert_element_type3A = arith.extui %ge3A_142 : i1 to i32
      %cond3A = arith.constant 0 : i32
      %cond3A_143 = arith.cmpi ne, %convert_element_type3A, %cond3A : i32
      scf.if %cond3A_143 {
        %sub3A = arith.constant 7 : i32
        %sub3A_263 = arith.subi %scan3A_124#1, %sub3A : i32
        %rem3A_264 = arith.constant 8 : i32
        %rem3A_265 = arith.remsi %sub3A_263, %rem3A_264 : i32
        %dma_wait3A_266 = arith.constant 0 : i32
        %dma_wait3A_267 = arith.constant 0 : i32
        %dma_wait3A_268 = tpu.memref_slice %arg10[%rem3A_265, %dma_wait3A_266, %dma_wait3A_267] : memref<8x32x128xf32, #tpu.memory_space<vmem>> -> memref<1x32x128xf32, #tpu.memory_space<vmem>>
        %dma_wait3A_269 = tpu.memref_squeeze %dma_wait3A_268 : memref<1x32x128xf32, #tpu.memory_space<vmem>> -> memref<32x128xf32, #tpu.memory_space<vmem>>
        %dma_wait3A_270 = arith.constant 0 : i32
        %dma_wait3A_271 = arith.constant 0 : i32
        %dma_wait3A_272 = tpu.memref_slice %arg2[%dma_wait3A_270, %dma_wait3A_271] : memref<262144x128xf32, #tpu.memory_space<hbm>> -> memref<32x128xf32, #tpu.memory_space<hbm>>
        %dma_wait3A_273 = tpu.memref_slice %arg13[%rem3A_265] : memref<8x!tpu.dma_semaphore, #tpu.memory_space<semaphore_mem>> -> memref<1x!tpu.dma_semaphore, #tpu.memory_space<semaphore_mem>>
        %dma_wait3A_274 = tpu.memref_squeeze %dma_wait3A_273 : memref<1x!tpu.dma_semaphore, #tpu.memory_space<semaphore_mem>> -> memref<!tpu.dma_semaphore, #tpu.memory_space<semaphore_mem>>
        %dma_wait3A_275 = arith.constant 0 : i32
        %dma_wait3A_276 = arith.constant 0 : i32
        %dma_wait3A_277 = tpu.memref_slice %arg10[%rem3A_265, %dma_wait3A_275, %dma_wait3A_276] : memref<8x32x128xf32, #tpu.memory_space<vmem>> -> memref<1x32x128xf32, #tpu.memory_space<vmem>>
        %dma_wait3A_278 = tpu.memref_squeeze %dma_wait3A_277 : memref<1x32x128xf32, #tpu.memory_space<vmem>> -> memref<32x128xf32, #tpu.memory_space<vmem>>
        %dma_wait3A_279 = arith.constant 0 : i32
        %dma_wait3A_280 = arith.constant 0 : i32
        %dma_wait3A_281 = tpu.memref_slice %arg2[%dma_wait3A_279, %dma_wait3A_280] : memref<262144x128xf32, #tpu.memory_space<hbm>> -> memref<32x128xf32, #tpu.memory_space<hbm>>
        tpu.wait_dma2 semaphore(%dma_wait3A_274 : memref<!tpu.dma_semaphore, #tpu.memory_space<semaphore_mem>>) src(%dma_wait3A_281 : memref<32x128xf32, #tpu.memory_space<hbm>>) dst(%dma_wait3A_278 : memref<32x128xf32, #tpu.memory_space<vmem>>)
        %dma_start3A_282 = arith.constant 0 : i32
        %dma_start3A_283 = arith.constant 0 : i32
        %dma_start3A_284 = tpu.memref_slice %arg10[%rem3A_265, %dma_start3A_282, %dma_start3A_283] : memref<8x32x128xf32, #tpu.memory_space<vmem>> -> memref<1x32x128xf32, #tpu.memory_space<vmem>>
        %dma_start3A_285 = tpu.memref_squeeze %dma_start3A_284 : memref<1x32x128xf32, #tpu.memory_space<vmem>> -> memref<32x128xf32, #tpu.memory_space<vmem>>
        %dma_start3A_286 = arith.constant 0 : i32
        %dma_start3A_287 = tpu.memref_slice %arg8[%rem3A_265, %dma_start3A_286] : memref<8x32xi32, #tpu.memory_space<vmem>> -> memref<1x32xi32, #tpu.memory_space<vmem>>
        %dma_start3A_288 = tpu.memref_squeeze %dma_start3A_287 : memref<1x32xi32, #tpu.memory_space<vmem>> -> memref<32xi32, #tpu.memory_space<vmem>>
        %dma_start3A_289 = arith.constant 0 : i32
        %dma_start3A_290 = arith.constant 0 : i32
        %dma_start3A_291 = tpu.memref_slice %arg12[%dma_start3A_289, %dma_start3A_290] : memref<8200x128xf32, #tpu.memory_space<vmem_shared>> -> memref<8200x128xf32, #tpu.memory_space<vmem_shared>>
        %dma_start3A_292 = tpu.memref_slice %arg14[%rem3A_265] : memref<8x!tpu.dma_semaphore, #tpu.memory_space<semaphore_mem>> -> memref<1x!tpu.dma_semaphore, #tpu.memory_space<semaphore_mem>>
        %dma_start3A_293 = tpu.memref_squeeze %dma_start3A_292 : memref<1x!tpu.dma_semaphore, #tpu.memory_space<semaphore_mem>> -> memref<!tpu.dma_semaphore, #tpu.memory_space<semaphore_mem>>
        tpu.enqueue_indirect_dma source(%dma_start3A_285 : memref<32x128xf32, #tpu.memory_space<vmem>>) target(%dma_start3A_291 : memref<8200x128xf32, #tpu.memory_space<vmem_shared>>) offsets(%dma_start3A_288 : memref<32xi32, #tpu.memory_space<vmem>>) semaphore(%dma_start3A_293 : memref<!tpu.dma_semaphore, #tpu.memory_space<semaphore_mem>>) {add = true}
      } else {
      }
      %ge3A_144 = arith.constant 8 : i32
      %ge3A_145 = arith.cmpi sge, %scan3A_124#1, %ge3A_144 : i32
      %convert_element_type3A_146 = arith.extui %ge3A_145 : i1 to i32
      %cond3A_147 = arith.constant 0 : i32
      %cond3A_148 = arith.cmpi ne, %convert_element_type3A_146, %cond3A_147 : i32
      scf.if %cond3A_148 {
        %dma_wait3A_263 = arith.constant 0 : i32
        %dma_wait3A_264 = arith.constant 0 : i32
        %dma_wait3A_265 = tpu.memref_slice %arg10[%rem3A_141, %dma_wait3A_263, %dma_wait3A_264] : memref<8x32x128xf32, #tpu.memory_space<vmem>> -> memref<1x32x128xf32, #tpu.memory_space<vmem>>
        %dma_wait3A_266 = tpu.memref_squeeze %dma_wait3A_265 : memref<1x32x128xf32, #tpu.memory_space<vmem>> -> memref<32x128xf32, #tpu.memory_space<vmem>>
        %dma_wait3A_267 = arith.constant 0 : i32
        %dma_wait3A_268 = arith.constant 0 : i32
        %dma_wait3A_269 = tpu.memref_slice %arg2[%dma_wait3A_267, %dma_wait3A_268] : memref<262144x128xf32, #tpu.memory_space<hbm>> -> memref<32x128xf32, #tpu.memory_space<hbm>>
        %dma_wait3A_270 = tpu.memref_slice %arg14[%rem3A_141] : memref<8x!tpu.dma_semaphore, #tpu.memory_space<semaphore_mem>> -> memref<1x!tpu.dma_semaphore, #tpu.memory_space<semaphore_mem>>
        %dma_wait3A_271 = tpu.memref_squeeze %dma_wait3A_270 : memref<1x!tpu.dma_semaphore, #tpu.memory_space<semaphore_mem>> -> memref<!tpu.dma_semaphore, #tpu.memory_space<semaphore_mem>>
        %dma_wait3A_272 = arith.constant 0 : i32
        %dma_wait3A_273 = arith.constant 0 : i32
        %dma_wait3A_274 = tpu.memref_slice %arg10[%rem3A_141, %dma_wait3A_272, %dma_wait3A_273] : memref<8x32x128xf32, #tpu.memory_space<vmem>> -> memref<1x32x128xf32, #tpu.memory_space<vmem>>
        %dma_wait3A_275 = tpu.memref_squeeze %dma_wait3A_274 : memref<1x32x128xf32, #tpu.memory_space<vmem>> -> memref<32x128xf32, #tpu.memory_space<vmem>>
        %dma_wait3A_276 = arith.constant 0 : i32
        %dma_wait3A_277 = arith.constant 0 : i32
        %dma_wait3A_278 = tpu.memref_slice %arg2[%dma_wait3A_276, %dma_wait3A_277] : memref<262144x128xf32, #tpu.memory_space<hbm>> -> memref<32x128xf32, #tpu.memory_space<hbm>>
        tpu.wait_dma2 semaphore(%dma_wait3A_271 : memref<!tpu.dma_semaphore, #tpu.memory_space<semaphore_mem>>) src(%dma_wait3A_278 : memref<32x128xf32, #tpu.memory_space<hbm>>) dst(%dma_wait3A_275 : memref<32x128xf32, #tpu.memory_space<vmem>>)
      } else {
      }
      %get3A = arith.constant 0 : index
      %get3A_149 = tpu.vector_load %arg7[%get3A] {strides = array<i32>} : memref<2112xi32, #tpu.memory_space<vmem>>, vector<16xi32>,
      %swap3A_150 = arith.index_cast %rem3A_141 : i32 to index
      %swap3A_151 = arith.constant 0 : index
      %swap3A_152 = tpu.vector_load %arg8[%swap3A_150, %swap3A_151] {strides = array<i32>} : memref<8x32xi32, #tpu.memory_space<vmem>>, vector<16xi32>,
      tpu.vector_store %arg8[%swap3A_150, %swap3A_151], %get3A_149 {strides = array<i32>} : memref<8x32xi32, #tpu.memory_space<vmem>>, vector<16xi32>,
      %get3A_153 = arith.constant 0 : index
      %get3A_154 = tpu.vector_load %arg6[%get3A_153] {strides = array<i32>} : memref<2112xi32, #tpu.memory_space<vmem>>, vector<16xi32>,
      %swap3A_155 = arith.index_cast %rem3A_141 : i32 to index
      %swap3A_156 = arith.constant 0 : index
      %swap3A_157 = tpu.vector_load %arg9[%swap3A_155, %swap3A_156] {strides = array<i32>} : memref<8x32xi32, #tpu.memory_space<vmem>>, vector<16xi32>,
      tpu.vector_store %arg9[%swap3A_155, %swap3A_156], %get3A_154 {strides = array<i32>} : memref<8x32xi32, #tpu.memory_space<vmem>>, vector<16xi32>,
      %get3A_158 = arith.constant 16 : index
      %get3A_159 = tpu.vector_load %arg7[%get3A_158] {strides = array<i32>} : memref<2112xi32, #tpu.memory_space<vmem>>, vector<16xi32>,
      %swap3A_160 = arith.index_cast %rem3A_141 : i32 to index
      %swap3A_161 = arith.constant 16 : index
      %swap3A_162 = tpu.vector_load %arg8[%swap3A_160, %swap3A_161] {strides = array<i32>} : memref<8x32xi32, #tpu.memory_space<vmem>>, vector<16xi32>,
      tpu.vector_store %arg8[%swap3A_160, %swap3A_161], %get3A_159 {strides = array<i32>} : memref<8x32xi32, #tpu.memory_space<vmem>>, vector<16xi32>,
      %get3A_163 = arith.constant 16 : index
      %get3A_164 = tpu.vector_load %arg6[%get3A_163] {strides = array<i32>} : memref<2112xi32, #tpu.memory_space<vmem>>, vector<16xi32>,
      %swap3A_165 = arith.index_cast %rem3A_141 : i32 to index
      %swap3A_166 = arith.constant 16 : index
      %swap3A_167 = tpu.vector_load %arg9[%swap3A_165, %swap3A_166] {strides = array<i32>} : memref<8x32xi32, #tpu.memory_space<vmem>>, vector<16xi32>,
      tpu.vector_store %arg9[%swap3A_165, %swap3A_166], %get3A_164 {strides = array<i32>} : memref<8x32xi32, #tpu.memory_space<vmem>>, vector<16xi32>,
      %dma_start3A_168 = arith.constant 0 : i32
      %dma_start3A_169 = arith.constant 0 : i32
      %dma_start3A_170 = tpu.memref_slice %arg10[%rem3A_141, %dma_start3A_168, %dma_start3A_169] : memref<8x32x128xf32, #tpu.memory_space<vmem>> -> memref<1x32x128xf32, #tpu.memory_space<vmem>>
      %dma_start3A_171 = tpu.memref_squeeze %dma_start3A_170 : memref<1x32x128xf32, #tpu.memory_space<vmem>> -> memref<32x128xf32, #tpu.memory_space<vmem>>
      %dma_start3A_172 = arith.constant 0 : i32
      %dma_start3A_173 = tpu.memref_slice %arg9[%rem3A_141, %dma_start3A_172] : memref<8x32xi32, #tpu.memory_space<vmem>> -> memref<1x32xi32, #tpu.memory_space<vmem>>
      %dma_start3A_174 = tpu.memref_squeeze %dma_start3A_173 : memref<1x32xi32, #tpu.memory_space<vmem>> -> memref<32xi32, #tpu.memory_space<vmem>>
      %dma_start3A_175 = arith.constant 0 : i32
      %dma_start3A_176 = arith.constant 0 : i32
      %dma_start3A_177 = tpu.memref_slice %arg2[%dma_start3A_175, %dma_start3A_176] : memref<262144x128xf32, #tpu.memory_space<hbm>> -> memref<262144x128xf32, #tpu.memory_space<hbm>>
      %dma_start3A_178 = tpu.memref_slice %arg13[%rem3A_141] : memref<8x!tpu.dma_semaphore, #tpu.memory_space<semaphore_mem>> -> memref<1x!tpu.dma_semaphore, #tpu.memory_space<semaphore_mem>>
      %dma_start3A_179 = tpu.memref_squeeze %dma_start3A_178 : memref<1x!tpu.dma_semaphore, #tpu.memory_space<semaphore_mem>> -> memref<!tpu.dma_semaphore, #tpu.memory_space<semaphore_mem>>
      tpu.enqueue_indirect_dma source(%dma_start3A_177 : memref<262144x128xf32, #tpu.memory_space<hbm>>) target(%dma_start3A_171 : memref<32x128xf32, #tpu.memory_space<vmem>>) offsets(%dma_start3A_174 : memref<32xi32, #tpu.memory_space<vmem>>) semaphore(%dma_start3A_179 : memref<!tpu.dma_semaphore, #tpu.memory_space<semaphore_mem>>)
      %add3A_180 = arith.constant 1 : i32
      %add3A_181 = arith.addi %scan3A_124#1, %add3A_180 : i32
      %ge3A_182 = arith.constant 7 : i32
      %ge3A_183 = arith.cmpi sge, %add3A_181, %ge3A_182 : i32
      %convert_element_type3A_184 = arith.extui %ge3A_183 : i1 to i32
      %cond3A_185 = arith.constant 0 : i32
      %cond3A_186 = arith.cmpi ne, %convert_element_type3A_184, %cond3A_185 : i32
      scf.if %cond3A_186 {
        %sub3A = arith.constant 7 : i32
        %sub3A_263 = arith.subi %add3A_181, %sub3A : i32
        %rem3A_264 = arith.constant 8 : i32
        %rem3A_265 = arith.remsi %sub3A_263, %rem3A_264 : i32
        %dma_wait3A_266 = arith.constant 0 : i32
        %dma_wait3A_267 = arith.constant 0 : i32
        %dma_wait3A_268 = tpu.memref_slice %arg10[%rem3A_265, %dma_wait3A_266, %dma_wait3A_267] : memref<8x32x128xf32, #tpu.memory_space<vmem>> -> memref<1x32x128xf32, #tpu.memory_space<vmem>>
        %dma_wait3A_269 = tpu.memref_squeeze %dma_wait3A_268 : memref<1x32x128xf32, #tpu.memory_space<vmem>> -> memref<32x128xf32, #tpu.memory_space<vmem>>
        %dma_wait3A_270 = arith.constant 0 : i32
        %dma_wait3A_271 = arith.constant 0 : i32
        %dma_wait3A_272 = tpu.memref_slice %arg2[%dma_wait3A_270, %dma_wait3A_271] : memref<262144x128xf32, #tpu.memory_space<hbm>> -> memref<32x128xf32, #tpu.memory_space<hbm>>
        %dma_wait3A_273 = tpu.memref_slice %arg13[%rem3A_265] : memref<8x!tpu.dma_semaphore, #tpu.memory_space<semaphore_mem>> -> memref<1x!tpu.dma_semaphore, #tpu.memory_space<semaphore_mem>>
        %dma_wait3A_274 = tpu.memref_squeeze %dma_wait3A_273 : memref<1x!tpu.dma_semaphore, #tpu.memory_space<semaphore_mem>> -> memref<!tpu.dma_semaphore, #tpu.memory_space<semaphore_mem>>
        %dma_wait3A_275 = arith.constant 0 : i32
        %dma_wait3A_276 = arith.constant 0 : i32
        %dma_wait3A_277 = tpu.memref_slice %arg10[%rem3A_265, %dma_wait3A_275, %dma_wait3A_276] : memref<8x32x128xf32, #tpu.memory_space<vmem>> -> memref<1x32x128xf32, #tpu.memory_space<vmem>>
        %dma_wait3A_278 = tpu.memref_squeeze %dma_wait3A_277 : memref<1x32x128xf32, #tpu.memory_space<vmem>> -> memref<32x128xf32, #tpu.memory_space<vmem>>
        %dma_wait3A_279 = arith.constant 0 : i32
        %dma_wait3A_280 = arith.constant 0 : i32
        %dma_wait3A_281 = tpu.memref_slice %arg2[%dma_wait3A_279, %dma_wait3A_280] : memref<262144x128xf32, #tpu.memory_space<hbm>> -> memref<32x128xf32, #tpu.memory_space<hbm>>
        tpu.wait_dma2 semaphore(%dma_wait3A_274 : memref<!tpu.dma_semaphore, #tpu.memory_space<semaphore_mem>>) src(%dma_wait3A_281 : memref<32x128xf32, #tpu.memory_space<hbm>>) dst(%dma_wait3A_278 : memref<32x128xf32, #tpu.memory_space<vmem>>)
        %dma_start3A_282 = arith.constant 0 : i32
        %dma_start3A_283 = arith.constant 0 : i32
        %dma_start3A_284 = tpu.memref_slice %arg10[%rem3A_265, %dma_start3A_282, %dma_start3A_283] : memref<8x32x128xf32, #tpu.memory_space<vmem>> -> memref<1x32x128xf32, #tpu.memory_space<vmem>>
        %dma_start3A_285 = tpu.memref_squeeze %dma_start3A_284 : memref<1x32x128xf32, #tpu.memory_space<vmem>> -> memref<32x128xf32, #tpu.memory_space<vmem>>
        %dma_start3A_286 = arith.constant 0 : i32
        %dma_start3A_287 = tpu.memref_slice %arg8[%rem3A_265, %dma_start3A_286] : memref<8x32xi32, #tpu.memory_space<vmem>> -> memref<1x32xi32, #tpu.memory_space<vmem>>
        %dma_start3A_288 = tpu.memref_squeeze %dma_start3A_287 : memref<1x32xi32, #tpu.memory_space<vmem>> -> memref<32xi32, #tpu.memory_space<vmem>>
        %dma_start3A_289 = arith.constant 0 : i32
        %dma_start3A_290 = arith.constant 0 : i32
        %dma_start3A_291 = tpu.memref_slice %arg12[%dma_start3A_289, %dma_start3A_290] : memref<8200x128xf32, #tpu.memory_space<vmem_shared>> -> memref<8200x128xf32, #tpu.memory_space<vmem_shared>>
        %dma_start3A_292 = tpu.memref_slice %arg14[%rem3A_265] : memref<8x!tpu.dma_semaphore, #tpu.memory_space<semaphore_mem>> -> memref<1x!tpu.dma_semaphore, #tpu.memory_space<semaphore_mem>>
        %dma_start3A_293 = tpu.memref_squeeze %dma_start3A_292 : memref<1x!tpu.dma_semaphore, #tpu.memory_space<semaphore_mem>> -> memref<!tpu.dma_semaphore, #tpu.memory_space<semaphore_mem>>
        tpu.enqueue_indirect_dma source(%dma_start3A_285 : memref<32x128xf32, #tpu.memory_space<vmem>>) target(%dma_start3A_291 : memref<8200x128xf32, #tpu.memory_space<vmem_shared>>) offsets(%dma_start3A_288 : memref<32xi32, #tpu.memory_space<vmem>>) semaphore(%dma_start3A_293 : memref<!tpu.dma_semaphore, #tpu.memory_space<semaphore_mem>>) {add = true}
      } else {
      }
      %ge3A_187 = arith.constant 6 : i32
      %ge3A_188 = arith.cmpi sge, %add3A_181, %ge3A_187 : i32
      %convert_element_type3A_189 = arith.extui %ge3A_188 : i1 to i32
      %cond3A_190 = arith.constant 0 : i32
      %cond3A_191 = arith.cmpi ne, %convert_element_type3A_189, %cond3A_190 : i32
      scf.if %cond3A_191 {
        %sub3A = arith.constant 6 : i32
        %sub3A_263 = arith.subi %add3A_181, %sub3A : i32
        %rem3A_264 = arith.constant 8 : i32
        %rem3A_265 = arith.remsi %sub3A_263, %rem3A_264 : i32
        %dma_wait3A_266 = arith.constant 0 : i32
        %dma_wait3A_267 = arith.constant 0 : i32
        %dma_wait3A_268 = tpu.memref_slice %arg10[%rem3A_265, %dma_wait3A_266, %dma_wait3A_267] : memref<8x32x128xf32, #tpu.memory_space<vmem>> -> memref<1x32x128xf32, #tpu.memory_space<vmem>>
        %dma_wait3A_269 = tpu.memref_squeeze %dma_wait3A_268 : memref<1x32x128xf32, #tpu.memory_space<vmem>> -> memref<32x128xf32, #tpu.memory_space<vmem>>
        %dma_wait3A_270 = arith.constant 0 : i32
        %dma_wait3A_271 = arith.constant 0 : i32
        %dma_wait3A_272 = tpu.memref_slice %arg2[%dma_wait3A_270, %dma_wait3A_271] : memref<262144x128xf32, #tpu.memory_space<hbm>> -> memref<32x128xf32, #tpu.memory_space<hbm>>
        %dma_wait3A_273 = tpu.memref_slice %arg13[%rem3A_265] : memref<8x!tpu.dma_semaphore, #tpu.memory_space<semaphore_mem>> -> memref<1x!tpu.dma_semaphore, #tpu.memory_space<semaphore_mem>>
        %dma_wait3A_274 = tpu.memref_squeeze %dma_wait3A_273 : memref<1x!tpu.dma_semaphore, #tpu.memory_space<semaphore_mem>> -> memref<!tpu.dma_semaphore, #tpu.memory_space<semaphore_mem>>
        %dma_wait3A_275 = arith.constant 0 : i32
        %dma_wait3A_276 = arith.constant 0 : i32
        %dma_wait3A_277 = tpu.memref_slice %arg10[%rem3A_265, %dma_wait3A_275, %dma_wait3A_276] : memref<8x32x128xf32, #tpu.memory_space<vmem>> -> memref<1x32x128xf32, #tpu.memory_space<vmem>>
        %dma_wait3A_278 = tpu.memref_squeeze %dma_wait3A_277 : memref<1x32x128xf32, #tpu.memory_space<vmem>> -> memref<32x128xf32, #tpu.memory_space<vmem>>
        %dma_wait3A_279 = arith.constant 0 : i32
        %dma_wait3A_280 = arith.constant 0 : i32
        %dma_wait3A_281 = tpu.memref_slice %arg2[%dma_wait3A_279, %dma_wait3A_280] : memref<262144x128xf32, #tpu.memory_space<hbm>> -> memref<32x128xf32, #tpu.memory_space<hbm>>
        tpu.wait_dma2 semaphore(%dma_wait3A_274 : memref<!tpu.dma_semaphore, #tpu.memory_space<semaphore_mem>>) src(%dma_wait3A_281 : memref<32x128xf32, #tpu.memory_space<hbm>>) dst(%dma_wait3A_278 : memref<32x128xf32, #tpu.memory_space<vmem>>)
        %dma_start3A_282 = arith.constant 0 : i32
        %dma_start3A_283 = arith.constant 0 : i32
        %dma_start3A_284 = tpu.memref_slice %arg10[%rem3A_265, %dma_start3A_282, %dma_start3A_283] : memref<8x32x128xf32, #tpu.memory_space<vmem>> -> memref<1x32x128xf32, #tpu.memory_space<vmem>>
        %dma_start3A_285 = tpu.memref_squeeze %dma_start3A_284 : memref<1x32x128xf32, #tpu.memory_space<vmem>> -> memref<32x128xf32, #tpu.memory_space<vmem>>
        %dma_start3A_286 = arith.constant 0 : i32
        %dma_start3A_287 = tpu.memref_slice %arg8[%rem3A_265, %dma_start3A_286] : memref<8x32xi32, #tpu.memory_space<vmem>> -> memref<1x32xi32, #tpu.memory_space<vmem>>
        %dma_start3A_288 = tpu.memref_squeeze %dma_start3A_287 : memref<1x32xi32, #tpu.memory_space<vmem>> -> memref<32xi32, #tpu.memory_space<vmem>>
        %dma_start3A_289 = arith.constant 0 : i32
        %dma_start3A_290 = arith.constant 0 : i32
        %dma_start3A_291 = tpu.memref_slice %arg12[%dma_start3A_289, %dma_start3A_290] : memref<8200x128xf32, #tpu.memory_space<vmem_shared>> -> memref<8200x128xf32, #tpu.memory_space<vmem_shared>>
        %dma_start3A_292 = tpu.memref_slice %arg14[%rem3A_265] : memref<8x!tpu.dma_semaphore, #tpu.memory_space<semaphore_mem>> -> memref<1x!tpu.dma_semaphore, #tpu.memory_space<semaphore_mem>>
        %dma_start3A_293 = tpu.memref_squeeze %dma_start3A_292 : memref<1x!tpu.dma_semaphore, #tpu.memory_space<semaphore_mem>> -> memref<!tpu.dma_semaphore, #tpu.memory_space<semaphore_mem>>
        tpu.enqueue_indirect_dma source(%dma_start3A_285 : memref<32x128xf32, #tpu.memory_space<vmem>>) target(%dma_start3A_291 : memref<8200x128xf32, #tpu.memory_space<vmem_shared>>) offsets(%dma_start3A_288 : memref<32xi32, #tpu.memory_space<vmem>>) semaphore(%dma_start3A_293 : memref<!tpu.dma_semaphore, #tpu.memory_space<semaphore_mem>>) {add = true}
      } else {
      }
      %ge3A_192 = arith.constant 5 : i32
      %ge3A_193 = arith.cmpi sge, %add3A_181, %ge3A_192 : i32
      %convert_element_type3A_194 = arith.extui %ge3A_193 : i1 to i32
      %cond3A_195 = arith.constant 0 : i32
      %cond3A_196 = arith.cmpi ne, %convert_element_type3A_194, %cond3A_195 : i32
      scf.if %cond3A_196 {
        %sub3A = arith.constant 5 : i32
        %sub3A_263 = arith.subi %add3A_181, %sub3A : i32
        %rem3A_264 = arith.constant 8 : i32
        %rem3A_265 = arith.remsi %sub3A_263, %rem3A_264 : i32
        %dma_wait3A_266 = arith.constant 0 : i32
        %dma_wait3A_267 = arith.constant 0 : i32
        %dma_wait3A_268 = tpu.memref_slice %arg10[%rem3A_265, %dma_wait3A_266, %dma_wait3A_267] : memref<8x32x128xf32, #tpu.memory_space<vmem>> -> memref<1x32x128xf32, #tpu.memory_space<vmem>>
        %dma_wait3A_269 = tpu.memref_squeeze %dma_wait3A_268 : memref<1x32x128xf32, #tpu.memory_space<vmem>> -> memref<32x128xf32, #tpu.memory_space<vmem>>
        %dma_wait3A_270 = arith.constant 0 : i32
        %dma_wait3A_271 = arith.constant 0 : i32
        %dma_wait3A_272 = tpu.memref_slice %arg2[%dma_wait3A_270, %dma_wait3A_271] : memref<262144x128xf32, #tpu.memory_space<hbm>> -> memref<32x128xf32, #tpu.memory_space<hbm>>
        %dma_wait3A_273 = tpu.memref_slice %arg13[%rem3A_265] : memref<8x!tpu.dma_semaphore, #tpu.memory_space<semaphore_mem>> -> memref<1x!tpu.dma_semaphore, #tpu.memory_space<semaphore_mem>>
        %dma_wait3A_274 = tpu.memref_squeeze %dma_wait3A_273 : memref<1x!tpu.dma_semaphore, #tpu.memory_space<semaphore_mem>> -> memref<!tpu.dma_semaphore, #tpu.memory_space<semaphore_mem>>
        %dma_wait3A_275 = arith.constant 0 : i32
        %dma_wait3A_276 = arith.constant 0 : i32
        %dma_wait3A_277 = tpu.memref_slice %arg10[%rem3A_265, %dma_wait3A_275, %dma_wait3A_276] : memref<8x32x128xf32, #tpu.memory_space<vmem>> -> memref<1x32x128xf32, #tpu.memory_space<vmem>>
        %dma_wait3A_278 = tpu.memref_squeeze %dma_wait3A_277 : memref<1x32x128xf32, #tpu.memory_space<vmem>> -> memref<32x128xf32, #tpu.memory_space<vmem>>
        %dma_wait3A_279 = arith.constant 0 : i32
        %dma_wait3A_280 = arith.constant 0 : i32
        %dma_wait3A_281 = tpu.memref_slice %arg2[%dma_wait3A_279, %dma_wait3A_280] : memref<262144x128xf32, #tpu.memory_space<hbm>> -> memref<32x128xf32, #tpu.memory_space<hbm>>
        tpu.wait_dma2 semaphore(%dma_wait3A_274 : memref<!tpu.dma_semaphore, #tpu.memory_space<semaphore_mem>>) src(%dma_wait3A_281 : memref<32x128xf32, #tpu.memory_space<hbm>>) dst(%dma_wait3A_278 : memref<32x128xf32, #tpu.memory_space<vmem>>)
        %dma_start3A_282 = arith.constant 0 : i32
        %dma_start3A_283 = arith.constant 0 : i32
        %dma_start3A_284 = tpu.memref_slice %arg10[%rem3A_265, %dma_start3A_282, %dma_start3A_283] : memref<8x32x128xf32, #tpu.memory_space<vmem>> -> memref<1x32x128xf32, #tpu.memory_space<vmem>>
        %dma_start3A_285 = tpu.memref_squeeze %dma_start3A_284 : memref<1x32x128xf32, #tpu.memory_space<vmem>> -> memref<32x128xf32, #tpu.memory_space<vmem>>
        %dma_start3A_286 = arith.constant 0 : i32
        %dma_start3A_287 = tpu.memref_slice %arg8[%rem3A_265, %dma_start3A_286] : memref<8x32xi32, #tpu.memory_space<vmem>> -> memref<1x32xi32, #tpu.memory_space<vmem>>
        %dma_start3A_288 = tpu.memref_squeeze %dma_start3A_287 : memref<1x32xi32, #tpu.memory_space<vmem>> -> memref<32xi32, #tpu.memory_space<vmem>>
        %dma_start3A_289 = arith.constant 0 : i32
        %dma_start3A_290 = arith.constant 0 : i32
        %dma_start3A_291 = tpu.memref_slice %arg12[%dma_start3A_289, %dma_start3A_290] : memref<8200x128xf32, #tpu.memory_space<vmem_shared>> -> memref<8200x128xf32, #tpu.memory_space<vmem_shared>>
        %dma_start3A_292 = tpu.memref_slice %arg14[%rem3A_265] : memref<8x!tpu.dma_semaphore, #tpu.memory_space<semaphore_mem>> -> memref<1x!tpu.dma_semaphore, #tpu.memory_space<semaphore_mem>>
        %dma_start3A_293 = tpu.memref_squeeze %dma_start3A_292 : memref<1x!tpu.dma_semaphore, #tpu.memory_space<semaphore_mem>> -> memref<!tpu.dma_semaphore, #tpu.memory_space<semaphore_mem>>
        tpu.enqueue_indirect_dma source(%dma_start3A_285 : memref<32x128xf32, #tpu.memory_space<vmem>>) target(%dma_start3A_291 : memref<8200x128xf32, #tpu.memory_space<vmem_shared>>) offsets(%dma_start3A_288 : memref<32xi32, #tpu.memory_space<vmem>>) semaphore(%dma_start3A_293 : memref<!tpu.dma_semaphore, #tpu.memory_space<semaphore_mem>>) {add = true}
      } else {
      }
      %ge3A_197 = arith.constant 4 : i32
      %ge3A_198 = arith.cmpi sge, %add3A_181, %ge3A_197 : i32
      %convert_element_type3A_199 = arith.extui %ge3A_198 : i1 to i32
      %cond3A_200 = arith.constant 0 : i32
      %cond3A_201 = arith.cmpi ne, %convert_element_type3A_199, %cond3A_200 : i32
      scf.if %cond3A_201 {
        %sub3A = arith.constant 4 : i32
        %sub3A_263 = arith.subi %add3A_181, %sub3A : i32
        %rem3A_264 = arith.constant 8 : i32
        %rem3A_265 = arith.remsi %sub3A_263, %rem3A_264 : i32
        %dma_wait3A_266 = arith.constant 0 : i32
        %dma_wait3A_267 = arith.constant 0 : i32
        %dma_wait3A_268 = tpu.memref_slice %arg10[%rem3A_265, %dma_wait3A_266, %dma_wait3A_267] : memref<8x32x128xf32, #tpu.memory_space<vmem>> -> memref<1x32x128xf32, #tpu.memory_space<vmem>>
        %dma_wait3A_269 = tpu.memref_squeeze %dma_wait3A_268 : memref<1x32x128xf32, #tpu.memory_space<vmem>> -> memref<32x128xf32, #tpu.memory_space<vmem>>
        %dma_wait3A_270 = arith.constant 0 : i32
        %dma_wait3A_271 = arith.constant 0 : i32
        %dma_wait3A_272 = tpu.memref_slice %arg2[%dma_wait3A_270, %dma_wait3A_271] : memref<262144x128xf32, #tpu.memory_space<hbm>> -> memref<32x128xf32, #tpu.memory_space<hbm>>
        %dma_wait3A_273 = tpu.memref_slice %arg13[%rem3A_265] : memref<8x!tpu.dma_semaphore, #tpu.memory_space<semaphore_mem>> -> memref<1x!tpu.dma_semaphore, #tpu.memory_space<semaphore_mem>>
        %dma_wait3A_274 = tpu.memref_squeeze %dma_wait3A_273 : memref<1x!tpu.dma_semaphore, #tpu.memory_space<semaphore_mem>> -> memref<!tpu.dma_semaphore, #tpu.memory_space<semaphore_mem>>
        %dma_wait3A_275 = arith.constant 0 : i32
        %dma_wait3A_276 = arith.constant 0 : i32
        %dma_wait3A_277 = tpu.memref_slice %arg10[%rem3A_265, %dma_wait3A_275, %dma_wait3A_276] : memref<8x32x128xf32, #tpu.memory_space<vmem>> -> memref<1x32x128xf32, #tpu.memory_space<vmem>>
        %dma_wait3A_278 = tpu.memref_squeeze %dma_wait3A_277 : memref<1x32x128xf32, #tpu.memory_space<vmem>> -> memref<32x128xf32, #tpu.memory_space<vmem>>
        %dma_wait3A_279 = arith.constant 0 : i32
        %dma_wait3A_280 = arith.constant 0 : i32
        %dma_wait3A_281 = tpu.memref_slice %arg2[%dma_wait3A_279, %dma_wait3A_280] : memref<262144x128xf32, #tpu.memory_space<hbm>> -> memref<32x128xf32, #tpu.memory_space<hbm>>
        tpu.wait_dma2 semaphore(%dma_wait3A_274 : memref<!tpu.dma_semaphore, #tpu.memory_space<semaphore_mem>>) src(%dma_wait3A_281 : memref<32x128xf32, #tpu.memory_space<hbm>>) dst(%dma_wait3A_278 : memref<32x128xf32, #tpu.memory_space<vmem>>)
        %dma_start3A_282 = arith.constant 0 : i32
        %dma_start3A_283 = arith.constant 0 : i32
        %dma_start3A_284 = tpu.memref_slice %arg10[%rem3A_265, %dma_start3A_282, %dma_start3A_283] : memref<8x32x128xf32, #tpu.memory_space<vmem>> -> memref<1x32x128xf32, #tpu.memory_space<vmem>>
        %dma_start3A_285 = tpu.memref_squeeze %dma_start3A_284 : memref<1x32x128xf32, #tpu.memory_space<vmem>> -> memref<32x128xf32, #tpu.memory_space<vmem>>
        %dma_start3A_286 = arith.constant 0 : i32
        %dma_start3A_287 = tpu.memref_slice %arg8[%rem3A_265, %dma_start3A_286] : memref<8x32xi32, #tpu.memory_space<vmem>> -> memref<1x32xi32, #tpu.memory_space<vmem>>
        %dma_start3A_288 = tpu.memref_squeeze %dma_start3A_287 : memref<1x32xi32, #tpu.memory_space<vmem>> -> memref<32xi32, #tpu.memory_space<vmem>>
        %dma_start3A_289 = arith.constant 0 : i32
        %dma_start3A_290 = arith.constant 0 : i32
        %dma_start3A_291 = tpu.memref_slice %arg12[%dma_start3A_289, %dma_start3A_290] : memref<8200x128xf32, #tpu.memory_space<vmem_shared>> -> memref<8200x128xf32, #tpu.memory_space<vmem_shared>>
        %dma_start3A_292 = tpu.memref_slice %arg14[%rem3A_265] : memref<8x!tpu.dma_semaphore, #tpu.memory_space<semaphore_mem>> -> memref<1x!tpu.dma_semaphore, #tpu.memory_space<semaphore_mem>>
        %dma_start3A_293 = tpu.memref_squeeze %dma_start3A_292 : memref<1x!tpu.dma_semaphore, #tpu.memory_space<semaphore_mem>> -> memref<!tpu.dma_semaphore, #tpu.memory_space<semaphore_mem>>
        tpu.enqueue_indirect_dma source(%dma_start3A_285 : memref<32x128xf32, #tpu.memory_space<vmem>>) target(%dma_start3A_291 : memref<8200x128xf32, #tpu.memory_space<vmem_shared>>) offsets(%dma_start3A_288 : memref<32xi32, #tpu.memory_space<vmem>>) semaphore(%dma_start3A_293 : memref<!tpu.dma_semaphore, #tpu.memory_space<semaphore_mem>>) {add = true}
      } else {
      }
      %ge3A_202 = arith.constant 3 : i32
      %ge3A_203 = arith.cmpi sge, %add3A_181, %ge3A_202 : i32
      %convert_element_type3A_204 = arith.extui %ge3A_203 : i1 to i32
      %cond3A_205 = arith.constant 0 : i32
      %cond3A_206 = arith.cmpi ne, %convert_element_type3A_204, %cond3A_205 : i32
      scf.if %cond3A_206 {
        %sub3A = arith.constant 3 : i32
        %sub3A_263 = arith.subi %add3A_181, %sub3A : i32
        %rem3A_264 = arith.constant 8 : i32
        %rem3A_265 = arith.remsi %sub3A_263, %rem3A_264 : i32
        %dma_wait3A_266 = arith.constant 0 : i32
        %dma_wait3A_267 = arith.constant 0 : i32
        %dma_wait3A_268 = tpu.memref_slice %arg10[%rem3A_265, %dma_wait3A_266, %dma_wait3A_267] : memref<8x32x128xf32, #tpu.memory_space<vmem>> -> memref<1x32x128xf32, #tpu.memory_space<vmem>>
        %dma_wait3A_269 = tpu.memref_squeeze %dma_wait3A_268 : memref<1x32x128xf32, #tpu.memory_space<vmem>> -> memref<32x128xf32, #tpu.memory_space<vmem>>
        %dma_wait3A_270 = arith.constant 0 : i32
        %dma_wait3A_271 = arith.constant 0 : i32
        %dma_wait3A_272 = tpu.memref_slice %arg2[%dma_wait3A_270, %dma_wait3A_271] : memref<262144x128xf32, #tpu.memory_space<hbm>> -> memref<32x128xf32, #tpu.memory_space<hbm>>
        %dma_wait3A_273 = tpu.memref_slice %arg13[%rem3A_265] : memref<8x!tpu.dma_semaphore, #tpu.memory_space<semaphore_mem>> -> memref<1x!tpu.dma_semaphore, #tpu.memory_space<semaphore_mem>>
        %dma_wait3A_274 = tpu.memref_squeeze %dma_wait3A_273 : memref<1x!tpu.dma_semaphore, #tpu.memory_space<semaphore_mem>> -> memref<!tpu.dma_semaphore, #tpu.memory_space<semaphore_mem>>
        %dma_wait3A_275 = arith.constant 0 : i32
        %dma_wait3A_276 = arith.constant 0 : i32
        %dma_wait3A_277 = tpu.memref_slice %arg10[%rem3A_265, %dma_wait3A_275, %dma_wait3A_276] : memref<8x32x128xf32, #tpu.memory_space<vmem>> -> memref<1x32x128xf32, #tpu.memory_space<vmem>>
        %dma_wait3A_278 = tpu.memref_squeeze %dma_wait3A_277 : memref<1x32x128xf32, #tpu.memory_space<vmem>> -> memref<32x128xf32, #tpu.memory_space<vmem>>
        %dma_wait3A_279 = arith.constant 0 : i32
        %dma_wait3A_280 = arith.constant 0 : i32
        %dma_wait3A_281 = tpu.memref_slice %arg2[%dma_wait3A_279, %dma_wait3A_280] : memref<262144x128xf32, #tpu.memory_space<hbm>> -> memref<32x128xf32, #tpu.memory_space<hbm>>
        tpu.wait_dma2 semaphore(%dma_wait3A_274 : memref<!tpu.dma_semaphore, #tpu.memory_space<semaphore_mem>>) src(%dma_wait3A_281 : memref<32x128xf32, #tpu.memory_space<hbm>>) dst(%dma_wait3A_278 : memref<32x128xf32, #tpu.memory_space<vmem>>)
        %dma_start3A_282 = arith.constant 0 : i32
        %dma_start3A_283 = arith.constant 0 : i32
        %dma_start3A_284 = tpu.memref_slice %arg10[%rem3A_265, %dma_start3A_282, %dma_start3A_283] : memref<8x32x128xf32, #tpu.memory_space<vmem>> -> memref<1x32x128xf32, #tpu.memory_space<vmem>>
        %dma_start3A_285 = tpu.memref_squeeze %dma_start3A_284 : memref<1x32x128xf32, #tpu.memory_space<vmem>> -> memref<32x128xf32, #tpu.memory_space<vmem>>
        %dma_start3A_286 = arith.constant 0 : i32
        %dma_start3A_287 = tpu.memref_slice %arg8[%rem3A_265, %dma_start3A_286] : memref<8x32xi32, #tpu.memory_space<vmem>> -> memref<1x32xi32, #tpu.memory_space<vmem>>
        %dma_start3A_288 = tpu.memref_squeeze %dma_start3A_287 : memref<1x32xi32, #tpu.memory_space<vmem>> -> memref<32xi32, #tpu.memory_space<vmem>>
        %dma_start3A_289 = arith.constant 0 : i32
        %dma_start3A_290 = arith.constant 0 : i32
        %dma_start3A_291 = tpu.memref_slice %arg12[%dma_start3A_289, %dma_start3A_290] : memref<8200x128xf32, #tpu.memory_space<vmem_shared>> -> memref<8200x128xf32, #tpu.memory_space<vmem_shared>>
        %dma_start3A_292 = tpu.memref_slice %arg14[%rem3A_265] : memref<8x!tpu.dma_semaphore, #tpu.memory_space<semaphore_mem>> -> memref<1x!tpu.dma_semaphore, #tpu.memory_space<semaphore_mem>>
        %dma_start3A_293 = tpu.memref_squeeze %dma_start3A_292 : memref<1x!tpu.dma_semaphore, #tpu.memory_space<semaphore_mem>> -> memref<!tpu.dma_semaphore, #tpu.memory_space<semaphore_mem>>
        tpu.enqueue_indirect_dma source(%dma_start3A_285 : memref<32x128xf32, #tpu.memory_space<vmem>>) target(%dma_start3A_291 : memref<8200x128xf32, #tpu.memory_space<vmem_shared>>) offsets(%dma_start3A_288 : memref<32xi32, #tpu.memory_space<vmem>>) semaphore(%dma_start3A_293 : memref<!tpu.dma_semaphore, #tpu.memory_space<semaphore_mem>>) {add = true}
      } else {
      }
      %ge3A_207 = arith.constant 2 : i32
      %ge3A_208 = arith.cmpi sge, %add3A_181, %ge3A_207 : i32
      %convert_element_type3A_209 = arith.extui %ge3A_208 : i1 to i32
      %cond3A_210 = arith.constant 0 : i32
      %cond3A_211 = arith.cmpi ne, %convert_element_type3A_209, %cond3A_210 : i32
      scf.if %cond3A_211 {
        %sub3A = arith.constant 2 : i32
        %sub3A_263 = arith.subi %add3A_181, %sub3A : i32
        %rem3A_264 = arith.constant 8 : i32
        %rem3A_265 = arith.remsi %sub3A_263, %rem3A_264 : i32
        %dma_wait3A_266 = arith.constant 0 : i32
        %dma_wait3A_267 = arith.constant 0 : i32
        %dma_wait3A_268 = tpu.memref_slice %arg10[%rem3A_265, %dma_wait3A_266, %dma_wait3A_267] : memref<8x32x128xf32, #tpu.memory_space<vmem>> -> memref<1x32x128xf32, #tpu.memory_space<vmem>>
        %dma_wait3A_269 = tpu.memref_squeeze %dma_wait3A_268 : memref<1x32x128xf32, #tpu.memory_space<vmem>> -> memref<32x128xf32, #tpu.memory_space<vmem>>
        %dma_wait3A_270 = arith.constant 0 : i32
        %dma_wait3A_271 = arith.constant 0 : i32
        %dma_wait3A_272 = tpu.memref_slice %arg2[%dma_wait3A_270, %dma_wait3A_271] : memref<262144x128xf32, #tpu.memory_space<hbm>> -> memref<32x128xf32, #tpu.memory_space<hbm>>
        %dma_wait3A_273 = tpu.memref_slice %arg13[%rem3A_265] : memref<8x!tpu.dma_semaphore, #tpu.memory_space<semaphore_mem>> -> memref<1x!tpu.dma_semaphore, #tpu.memory_space<semaphore_mem>>
        %dma_wait3A_274 = tpu.memref_squeeze %dma_wait3A_273 : memref<1x!tpu.dma_semaphore, #tpu.memory_space<semaphore_mem>> -> memref<!tpu.dma_semaphore, #tpu.memory_space<semaphore_mem>>
        %dma_wait3A_275 = arith.constant 0 : i32
        %dma_wait3A_276 = arith.constant 0 : i32
        %dma_wait3A_277 = tpu.memref_slice %arg10[%rem3A_265, %dma_wait3A_275, %dma_wait3A_276] : memref<8x32x128xf32, #tpu.memory_space<vmem>> -> memref<1x32x128xf32, #tpu.memory_space<vmem>>
        %dma_wait3A_278 = tpu.memref_squeeze %dma_wait3A_277 : memref<1x32x128xf32, #tpu.memory_space<vmem>> -> memref<32x128xf32, #tpu.memory_space<vmem>>
        %dma_wait3A_279 = arith.constant 0 : i32
        %dma_wait3A_280 = arith.constant 0 : i32
        %dma_wait3A_281 = tpu.memref_slice %arg2[%dma_wait3A_279, %dma_wait3A_280] : memref<262144x128xf32, #tpu.memory_space<hbm>> -> memref<32x128xf32, #tpu.memory_space<hbm>>
        tpu.wait_dma2 semaphore(%dma_wait3A_274 : memref<!tpu.dma_semaphore, #tpu.memory_space<semaphore_mem>>) src(%dma_wait3A_281 : memref<32x128xf32, #tpu.memory_space<hbm>>) dst(%dma_wait3A_278 : memref<32x128xf32, #tpu.memory_space<vmem>>)
        %dma_start3A_282 = arith.constant 0 : i32
        %dma_start3A_283 = arith.constant 0 : i32
        %dma_start3A_284 = tpu.memref_slice %arg10[%rem3A_265, %dma_start3A_282, %dma_start3A_283] : memref<8x32x128xf32, #tpu.memory_space<vmem>> -> memref<1x32x128xf32, #tpu.memory_space<vmem>>
        %dma_start3A_285 = tpu.memref_squeeze %dma_start3A_284 : memref<1x32x128xf32, #tpu.memory_space<vmem>> -> memref<32x128xf32, #tpu.memory_space<vmem>>
        %dma_start3A_286 = arith.constant 0 : i32
        %dma_start3A_287 = tpu.memref_slice %arg8[%rem3A_265, %dma_start3A_286] : memref<8x32xi32, #tpu.memory_space<vmem>> -> memref<1x32xi32, #tpu.memory_space<vmem>>
        %dma_start3A_288 = tpu.memref_squeeze %dma_start3A_287 : memref<1x32xi32, #tpu.memory_space<vmem>> -> memref<32xi32, #tpu.memory_space<vmem>>
        %dma_start3A_289 = arith.constant 0 : i32
        %dma_start3A_290 = arith.constant 0 : i32
        %dma_start3A_291 = tpu.memref_slice %arg12[%dma_start3A_289, %dma_start3A_290] : memref<8200x128xf32, #tpu.memory_space<vmem_shared>> -> memref<8200x128xf32, #tpu.memory_space<vmem_shared>>
        %dma_start3A_292 = tpu.memref_slice %arg14[%rem3A_265] : memref<8x!tpu.dma_semaphore, #tpu.memory_space<semaphore_mem>> -> memref<1x!tpu.dma_semaphore, #tpu.memory_space<semaphore_mem>>
        %dma_start3A_293 = tpu.memref_squeeze %dma_start3A_292 : memref<1x!tpu.dma_semaphore, #tpu.memory_space<semaphore_mem>> -> memref<!tpu.dma_semaphore, #tpu.memory_space<semaphore_mem>>
        tpu.enqueue_indirect_dma source(%dma_start3A_285 : memref<32x128xf32, #tpu.memory_space<vmem>>) target(%dma_start3A_291 : memref<8200x128xf32, #tpu.memory_space<vmem_shared>>) offsets(%dma_start3A_288 : memref<32xi32, #tpu.memory_space<vmem>>) semaphore(%dma_start3A_293 : memref<!tpu.dma_semaphore, #tpu.memory_space<semaphore_mem>>) {add = true}
      } else {
      }
      %ge3A_212 = arith.constant 1 : i32
      %ge3A_213 = arith.cmpi sge, %add3A_181, %ge3A_212 : i32
      %convert_element_type3A_214 = arith.extui %ge3A_213 : i1 to i32
      %cond3A_215 = arith.constant 0 : i32
      %cond3A_216 = arith.cmpi ne, %convert_element_type3A_214, %cond3A_215 : i32
      scf.if %cond3A_216 {
        %sub3A = arith.constant 1 : i32
        %sub3A_263 = arith.subi %add3A_181, %sub3A : i32
        %rem3A_264 = arith.constant 8 : i32
        %rem3A_265 = arith.remsi %sub3A_263, %rem3A_264 : i32
        %dma_wait3A_266 = arith.constant 0 : i32
        %dma_wait3A_267 = arith.constant 0 : i32
        %dma_wait3A_268 = tpu.memref_slice %arg10[%rem3A_265, %dma_wait3A_266, %dma_wait3A_267] : memref<8x32x128xf32, #tpu.memory_space<vmem>> -> memref<1x32x128xf32, #tpu.memory_space<vmem>>
        %dma_wait3A_269 = tpu.memref_squeeze %dma_wait3A_268 : memref<1x32x128xf32, #tpu.memory_space<vmem>> -> memref<32x128xf32, #tpu.memory_space<vmem>>
        %dma_wait3A_270 = arith.constant 0 : i32
        %dma_wait3A_271 = arith.constant 0 : i32
        %dma_wait3A_272 = tpu.memref_slice %arg2[%dma_wait3A_270, %dma_wait3A_271] : memref<262144x128xf32, #tpu.memory_space<hbm>> -> memref<32x128xf32, #tpu.memory_space<hbm>>
        %dma_wait3A_273 = tpu.memref_slice %arg13[%rem3A_265] : memref<8x!tpu.dma_semaphore, #tpu.memory_space<semaphore_mem>> -> memref<1x!tpu.dma_semaphore, #tpu.memory_space<semaphore_mem>>
        %dma_wait3A_274 = tpu.memref_squeeze %dma_wait3A_273 : memref<1x!tpu.dma_semaphore, #tpu.memory_space<semaphore_mem>> -> memref<!tpu.dma_semaphore, #tpu.memory_space<semaphore_mem>>
        %dma_wait3A_275 = arith.constant 0 : i32
        %dma_wait3A_276 = arith.constant 0 : i32
        %dma_wait3A_277 = tpu.memref_slice %arg10[%rem3A_265, %dma_wait3A_275, %dma_wait3A_276] : memref<8x32x128xf32, #tpu.memory_space<vmem>> -> memref<1x32x128xf32, #tpu.memory_space<vmem>>
        %dma_wait3A_278 = tpu.memref_squeeze %dma_wait3A_277 : memref<1x32x128xf32, #tpu.memory_space<vmem>> -> memref<32x128xf32, #tpu.memory_space<vmem>>
        %dma_wait3A_279 = arith.constant 0 : i32
        %dma_wait3A_280 = arith.constant 0 : i32
        %dma_wait3A_281 = tpu.memref_slice %arg2[%dma_wait3A_279, %dma_wait3A_280] : memref<262144x128xf32, #tpu.memory_space<hbm>> -> memref<32x128xf32, #tpu.memory_space<hbm>>
        tpu.wait_dma2 semaphore(%dma_wait3A_274 : memref<!tpu.dma_semaphore, #tpu.memory_space<semaphore_mem>>) src(%dma_wait3A_281 : memref<32x128xf32, #tpu.memory_space<hbm>>) dst(%dma_wait3A_278 : memref<32x128xf32, #tpu.memory_space<vmem>>)
        %dma_start3A_282 = arith.constant 0 : i32
        %dma_start3A_283 = arith.constant 0 : i32
        %dma_start3A_284 = tpu.memref_slice %arg10[%rem3A_265, %dma_start3A_282, %dma_start3A_283] : memref<8x32x128xf32, #tpu.memory_space<vmem>> -> memref<1x32x128xf32, #tpu.memory_space<vmem>>
        %dma_start3A_285 = tpu.memref_squeeze %dma_start3A_284 : memref<1x32x128xf32, #tpu.memory_space<vmem>> -> memref<32x128xf32, #tpu.memory_space<vmem>>
        %dma_start3A_286 = arith.constant 0 : i32
        %dma_start3A_287 = tpu.memref_slice %arg8[%rem3A_265, %dma_start3A_286] : memref<8x32xi32, #tpu.memory_space<vmem>> -> memref<1x32xi32, #tpu.memory_space<vmem>>
        %dma_start3A_288 = tpu.memref_squeeze %dma_start3A_287 : memref<1x32xi32, #tpu.memory_space<vmem>> -> memref<32xi32, #tpu.memory_space<vmem>>
        %dma_start3A_289 = arith.constant 0 : i32
        %dma_start3A_290 = arith.constant 0 : i32
        %dma_start3A_291 = tpu.memref_slice %arg12[%dma_start3A_289, %dma_start3A_290] : memref<8200x128xf32, #tpu.memory_space<vmem_shared>> -> memref<8200x128xf32, #tpu.memory_space<vmem_shared>>
        %dma_start3A_292 = tpu.memref_slice %arg14[%rem3A_265] : memref<8x!tpu.dma_semaphore, #tpu.memory_space<semaphore_mem>> -> memref<1x!tpu.dma_semaphore, #tpu.memory_space<semaphore_mem>>
        %dma_start3A_293 = tpu.memref_squeeze %dma_start3A_292 : memref<1x!tpu.dma_semaphore, #tpu.memory_space<semaphore_mem>> -> memref<!tpu.dma_semaphore, #tpu.memory_space<semaphore_mem>>
        tpu.enqueue_indirect_dma source(%dma_start3A_285 : memref<32x128xf32, #tpu.memory_space<vmem>>) target(%dma_start3A_291 : memref<8200x128xf32, #tpu.memory_space<vmem_shared>>) offsets(%dma_start3A_288 : memref<32xi32, #tpu.memory_space<vmem>>) semaphore(%dma_start3A_293 : memref<!tpu.dma_semaphore, #tpu.memory_space<semaphore_mem>>) {add = true}
      } else {
      }
      %ge3A_217 = arith.constant 8 : i32
      %ge3A_218 = arith.cmpi sge, %add3A_181, %ge3A_217 : i32
      %convert_element_type3A_219 = arith.extui %ge3A_218 : i1 to i32
      %cond3A_220 = arith.constant 0 : i32
      %cond3A_221 = arith.cmpi ne, %convert_element_type3A_219, %cond3A_220 : i32
      scf.if %cond3A_221 {
        %sub3A = arith.constant 8 : i32
        %sub3A_263 = arith.subi %add3A_181, %sub3A : i32
        %rem3A_264 = arith.constant 8 : i32
        %rem3A_265 = arith.remsi %sub3A_263, %rem3A_264 : i32
        %sub3A_266 = arith.constant 8 : i32
        %sub3A_267 = arith.subi %add3A_181, %sub3A_266 : i32
        %rem3A_268 = arith.constant 8 : i32
        %rem3A_269 = arith.remsi %sub3A_267, %rem3A_268 : i32
        %dma_wait3A_270 = arith.constant 0 : i32
        %dma_wait3A_271 = arith.constant 0 : i32
        %dma_wait3A_272 = tpu.memref_slice %arg10[%rem3A_265, %dma_wait3A_270, %dma_wait3A_271] : memref<8x32x128xf32, #tpu.memory_space<vmem>> -> memref<1x32x128xf32, #tpu.memory_space<vmem>>
        %dma_wait3A_273 = tpu.memref_squeeze %dma_wait3A_272 : memref<1x32x128xf32, #tpu.memory_space<vmem>> -> memref<32x128xf32, #tpu.memory_space<vmem>>
        %dma_wait3A_274 = arith.constant 0 : i32
        %dma_wait3A_275 = arith.constant 0 : i32
        %dma_wait3A_276 = tpu.memref_slice %arg2[%dma_wait3A_274, %dma_wait3A_275] : memref<262144x128xf32, #tpu.memory_space<hbm>> -> memref<32x128xf32, #tpu.memory_space<hbm>>
        %dma_wait3A_277 = tpu.memref_slice %arg14[%rem3A_269] : memref<8x!tpu.dma_semaphore, #tpu.memory_space<semaphore_mem>> -> memref<1x!tpu.dma_semaphore, #tpu.memory_space<semaphore_mem>>
        %dma_wait3A_278 = tpu.memref_squeeze %dma_wait3A_277 : memref<1x!tpu.dma_semaphore, #tpu.memory_space<semaphore_mem>> -> memref<!tpu.dma_semaphore, #tpu.memory_space<semaphore_mem>>
        %dma_wait3A_279 = arith.constant 0 : i32
        %dma_wait3A_280 = arith.constant 0 : i32
        %dma_wait3A_281 = tpu.memref_slice %arg10[%rem3A_265, %dma_wait3A_279, %dma_wait3A_280] : memref<8x32x128xf32, #tpu.memory_space<vmem>> -> memref<1x32x128xf32, #tpu.memory_space<vmem>>
        %dma_wait3A_282 = tpu.memref_squeeze %dma_wait3A_281 : memref<1x32x128xf32, #tpu.memory_space<vmem>> -> memref<32x128xf32, #tpu.memory_space<vmem>>
        %dma_wait3A_283 = arith.constant 0 : i32
        %dma_wait3A_284 = arith.constant 0 : i32
        %dma_wait3A_285 = tpu.memref_slice %arg2[%dma_wait3A_283, %dma_wait3A_284] : memref<262144x128xf32, #tpu.memory_space<hbm>> -> memref<32x128xf32, #tpu.memory_space<hbm>>
        tpu.wait_dma2 semaphore(%dma_wait3A_278 : memref<!tpu.dma_semaphore, #tpu.memory_space<semaphore_mem>>) src(%dma_wait3A_285 : memref<32x128xf32, #tpu.memory_space<hbm>>) dst(%dma_wait3A_282 : memref<32x128xf32, #tpu.memory_space<vmem>>)
      } else {
      }
      %ge3A_222 = arith.constant 7 : i32
      %ge3A_223 = arith.cmpi sge, %add3A_181, %ge3A_222 : i32
      %convert_element_type3A_224 = arith.extui %ge3A_223 : i1 to i32
      %cond3A_225 = arith.constant 0 : i32
      %cond3A_226 = arith.cmpi ne, %convert_element_type3A_224, %cond3A_225 : i32
      scf.if %cond3A_226 {
        %sub3A = arith.constant 7 : i32
        %sub3A_263 = arith.subi %add3A_181, %sub3A : i32
        %rem3A_264 = arith.constant 8 : i32
        %rem3A_265 = arith.remsi %sub3A_263, %rem3A_264 : i32
        %sub3A_266 = arith.constant 7 : i32
        %sub3A_267 = arith.subi %add3A_181, %sub3A_266 : i32
        %rem3A_268 = arith.constant 8 : i32
        %rem3A_269 = arith.remsi %sub3A_267, %rem3A_268 : i32
        %dma_wait3A_270 = arith.constant 0 : i32
        %dma_wait3A_271 = arith.constant 0 : i32
        %dma_wait3A_272 = tpu.memref_slice %arg10[%rem3A_265, %dma_wait3A_270, %dma_wait3A_271] : memref<8x32x128xf32, #tpu.memory_space<vmem>> -> memref<1x32x128xf32, #tpu.memory_space<vmem>>
        %dma_wait3A_273 = tpu.memref_squeeze %dma_wait3A_272 : memref<1x32x128xf32, #tpu.memory_space<vmem>> -> memref<32x128xf32, #tpu.memory_space<vmem>>
        %dma_wait3A_274 = arith.constant 0 : i32
        %dma_wait3A_275 = arith.constant 0 : i32
        %dma_wait3A_276 = tpu.memref_slice %arg2[%dma_wait3A_274, %dma_wait3A_275] : memref<262144x128xf32, #tpu.memory_space<hbm>> -> memref<32x128xf32, #tpu.memory_space<hbm>>
        %dma_wait3A_277 = tpu.memref_slice %arg14[%rem3A_269] : memref<8x!tpu.dma_semaphore, #tpu.memory_space<semaphore_mem>> -> memref<1x!tpu.dma_semaphore, #tpu.memory_space<semaphore_mem>>
        %dma_wait3A_278 = tpu.memref_squeeze %dma_wait3A_277 : memref<1x!tpu.dma_semaphore, #tpu.memory_space<semaphore_mem>> -> memref<!tpu.dma_semaphore, #tpu.memory_space<semaphore_mem>>
        %dma_wait3A_279 = arith.constant 0 : i32
        %dma_wait3A_280 = arith.constant 0 : i32
        %dma_wait3A_281 = tpu.memref_slice %arg10[%rem3A_265, %dma_wait3A_279, %dma_wait3A_280] : memref<8x32x128xf32, #tpu.memory_space<vmem>> -> memref<1x32x128xf32, #tpu.memory_space<vmem>>
        %dma_wait3A_282 = tpu.memref_squeeze %dma_wait3A_281 : memref<1x32x128xf32, #tpu.memory_space<vmem>> -> memref<32x128xf32, #tpu.memory_space<vmem>>
        %dma_wait3A_283 = arith.constant 0 : i32
        %dma_wait3A_284 = arith.constant 0 : i32
        %dma_wait3A_285 = tpu.memref_slice %arg2[%dma_wait3A_283, %dma_wait3A_284] : memref<262144x128xf32, #tpu.memory_space<hbm>> -> memref<32x128xf32, #tpu.memory_space<hbm>>
        tpu.wait_dma2 semaphore(%dma_wait3A_278 : memref<!tpu.dma_semaphore, #tpu.memory_space<semaphore_mem>>) src(%dma_wait3A_285 : memref<32x128xf32, #tpu.memory_space<hbm>>) dst(%dma_wait3A_282 : memref<32x128xf32, #tpu.memory_space<vmem>>)
      } else {
      }
      %ge3A_227 = arith.constant 6 : i32
      %ge3A_228 = arith.cmpi sge, %add3A_181, %ge3A_227 : i32
      %convert_element_type3A_229 = arith.extui %ge3A_228 : i1 to i32
      %cond3A_230 = arith.constant 0 : i32
      %cond3A_231 = arith.cmpi ne, %convert_element_type3A_229, %cond3A_230 : i32
      scf.if %cond3A_231 {
        %sub3A = arith.constant 6 : i32
        %sub3A_263 = arith.subi %add3A_181, %sub3A : i32
        %rem3A_264 = arith.constant 8 : i32
        %rem3A_265 = arith.remsi %sub3A_263, %rem3A_264 : i32
        %sub3A_266 = arith.constant 6 : i32
        %sub3A_267 = arith.subi %add3A_181, %sub3A_266 : i32
        %rem3A_268 = arith.constant 8 : i32
        %rem3A_269 = arith.remsi %sub3A_267, %rem3A_268 : i32
        %dma_wait3A_270 = arith.constant 0 : i32
        %dma_wait3A_271 = arith.constant 0 : i32
        %dma_wait3A_272 = tpu.memref_slice %arg10[%rem3A_265, %dma_wait3A_270, %dma_wait3A_271] : memref<8x32x128xf32, #tpu.memory_space<vmem>> -> memref<1x32x128xf32, #tpu.memory_space<vmem>>
        %dma_wait3A_273 = tpu.memref_squeeze %dma_wait3A_272 : memref<1x32x128xf32, #tpu.memory_space<vmem>> -> memref<32x128xf32, #tpu.memory_space<vmem>>
        %dma_wait3A_274 = arith.constant 0 : i32
        %dma_wait3A_275 = arith.constant 0 : i32
        %dma_wait3A_276 = tpu.memref_slice %arg2[%dma_wait3A_274, %dma_wait3A_275] : memref<262144x128xf32, #tpu.memory_space<hbm>> -> memref<32x128xf32, #tpu.memory_space<hbm>>
        %dma_wait3A_277 = tpu.memref_slice %arg14[%rem3A_269] : memref<8x!tpu.dma_semaphore, #tpu.memory_space<semaphore_mem>> -> memref<1x!tpu.dma_semaphore, #tpu.memory_space<semaphore_mem>>
        %dma_wait3A_278 = tpu.memref_squeeze %dma_wait3A_277 : memref<1x!tpu.dma_semaphore, #tpu.memory_space<semaphore_mem>> -> memref<!tpu.dma_semaphore, #tpu.memory_space<semaphore_mem>>
        %dma_wait3A_279 = arith.constant 0 : i32
        %dma_wait3A_280 = arith.constant 0 : i32
        %dma_wait3A_281 = tpu.memref_slice %arg10[%rem3A_265, %dma_wait3A_279, %dma_wait3A_280] : memref<8x32x128xf32, #tpu.memory_space<vmem>> -> memref<1x32x128xf32, #tpu.memory_space<vmem>>
        %dma_wait3A_282 = tpu.memref_squeeze %dma_wait3A_281 : memref<1x32x128xf32, #tpu.memory_space<vmem>> -> memref<32x128xf32, #tpu.memory_space<vmem>>
        %dma_wait3A_283 = arith.constant 0 : i32
        %dma_wait3A_284 = arith.constant 0 : i32
        %dma_wait3A_285 = tpu.memref_slice %arg2[%dma_wait3A_283, %dma_wait3A_284] : memref<262144x128xf32, #tpu.memory_space<hbm>> -> memref<32x128xf32, #tpu.memory_space<hbm>>
        tpu.wait_dma2 semaphore(%dma_wait3A_278 : memref<!tpu.dma_semaphore, #tpu.memory_space<semaphore_mem>>) src(%dma_wait3A_285 : memref<32x128xf32, #tpu.memory_space<hbm>>) dst(%dma_wait3A_282 : memref<32x128xf32, #tpu.memory_space<vmem>>)
      } else {
      }
      %ge3A_232 = arith.constant 5 : i32
      %ge3A_233 = arith.cmpi sge, %add3A_181, %ge3A_232 : i32
      %convert_element_type3A_234 = arith.extui %ge3A_233 : i1 to i32
      %cond3A_235 = arith.constant 0 : i32
      %cond3A_236 = arith.cmpi ne, %convert_element_type3A_234, %cond3A_235 : i32
      scf.if %cond3A_236 {
        %sub3A = arith.constant 5 : i32
        %sub3A_263 = arith.subi %add3A_181, %sub3A : i32
        %rem3A_264 = arith.constant 8 : i32
        %rem3A_265 = arith.remsi %sub3A_263, %rem3A_264 : i32
        %sub3A_266 = arith.constant 5 : i32
        %sub3A_267 = arith.subi %add3A_181, %sub3A_266 : i32
        %rem3A_268 = arith.constant 8 : i32
        %rem3A_269 = arith.remsi %sub3A_267, %rem3A_268 : i32
        %dma_wait3A_270 = arith.constant 0 : i32
        %dma_wait3A_271 = arith.constant 0 : i32
        %dma_wait3A_272 = tpu.memref_slice %arg10[%rem3A_265, %dma_wait3A_270, %dma_wait3A_271] : memref<8x32x128xf32, #tpu.memory_space<vmem>> -> memref<1x32x128xf32, #tpu.memory_space<vmem>>
        %dma_wait3A_273 = tpu.memref_squeeze %dma_wait3A_272 : memref<1x32x128xf32, #tpu.memory_space<vmem>> -> memref<32x128xf32, #tpu.memory_space<vmem>>
        %dma_wait3A_274 = arith.constant 0 : i32
        %dma_wait3A_275 = arith.constant 0 : i32
        %dma_wait3A_276 = tpu.memref_slice %arg2[%dma_wait3A_274, %dma_wait3A_275] : memref<262144x128xf32, #tpu.memory_space<hbm>> -> memref<32x128xf32, #tpu.memory_space<hbm>>
        %dma_wait3A_277 = tpu.memref_slice %arg14[%rem3A_269] : memref<8x!tpu.dma_semaphore, #tpu.memory_space<semaphore_mem>> -> memref<1x!tpu.dma_semaphore, #tpu.memory_space<semaphore_mem>>
        %dma_wait3A_278 = tpu.memref_squeeze %dma_wait3A_277 : memref<1x!tpu.dma_semaphore, #tpu.memory_space<semaphore_mem>> -> memref<!tpu.dma_semaphore, #tpu.memory_space<semaphore_mem>>
        %dma_wait3A_279 = arith.constant 0 : i32
        %dma_wait3A_280 = arith.constant 0 : i32
        %dma_wait3A_281 = tpu.memref_slice %arg10[%rem3A_265, %dma_wait3A_279, %dma_wait3A_280] : memref<8x32x128xf32, #tpu.memory_space<vmem>> -> memref<1x32x128xf32, #tpu.memory_space<vmem>>
        %dma_wait3A_282 = tpu.memref_squeeze %dma_wait3A_281 : memref<1x32x128xf32, #tpu.memory_space<vmem>> -> memref<32x128xf32, #tpu.memory_space<vmem>>
        %dma_wait3A_283 = arith.constant 0 : i32
        %dma_wait3A_284 = arith.constant 0 : i32
        %dma_wait3A_285 = tpu.memref_slice %arg2[%dma_wait3A_283, %dma_wait3A_284] : memref<262144x128xf32, #tpu.memory_space<hbm>> -> memref<32x128xf32, #tpu.memory_space<hbm>>
        tpu.wait_dma2 semaphore(%dma_wait3A_278 : memref<!tpu.dma_semaphore, #tpu.memory_space<semaphore_mem>>) src(%dma_wait3A_285 : memref<32x128xf32, #tpu.memory_space<hbm>>) dst(%dma_wait3A_282 : memref<32x128xf32, #tpu.memory_space<vmem>>)
      } else {
      }
      %ge3A_237 = arith.constant 4 : i32
      %ge3A_238 = arith.cmpi sge, %add3A_181, %ge3A_237 : i32
      %convert_element_type3A_239 = arith.extui %ge3A_238 : i1 to i32
      %cond3A_240 = arith.constant 0 : i32
      %cond3A_241 = arith.cmpi ne, %convert_element_type3A_239, %cond3A_240 : i32
      scf.if %cond3A_241 {
        %sub3A = arith.constant 4 : i32
        %sub3A_263 = arith.subi %add3A_181, %sub3A : i32
        %rem3A_264 = arith.constant 8 : i32
        %rem3A_265 = arith.remsi %sub3A_263, %rem3A_264 : i32
        %sub3A_266 = arith.constant 4 : i32
        %sub3A_267 = arith.subi %add3A_181, %sub3A_266 : i32
        %rem3A_268 = arith.constant 8 : i32
        %rem3A_269 = arith.remsi %sub3A_267, %rem3A_268 : i32
        %dma_wait3A_270 = arith.constant 0 : i32
        %dma_wait3A_271 = arith.constant 0 : i32
        %dma_wait3A_272 = tpu.memref_slice %arg10[%rem3A_265, %dma_wait3A_270, %dma_wait3A_271] : memref<8x32x128xf32, #tpu.memory_space<vmem>> -> memref<1x32x128xf32, #tpu.memory_space<vmem>>
        %dma_wait3A_273 = tpu.memref_squeeze %dma_wait3A_272 : memref<1x32x128xf32, #tpu.memory_space<vmem>> -> memref<32x128xf32, #tpu.memory_space<vmem>>
        %dma_wait3A_274 = arith.constant 0 : i32
        %dma_wait3A_275 = arith.constant 0 : i32
        %dma_wait3A_276 = tpu.memref_slice %arg2[%dma_wait3A_274, %dma_wait3A_275] : memref<262144x128xf32, #tpu.memory_space<hbm>> -> memref<32x128xf32, #tpu.memory_space<hbm>>
        %dma_wait3A_277 = tpu.memref_slice %arg14[%rem3A_269] : memref<8x!tpu.dma_semaphore, #tpu.memory_space<semaphore_mem>> -> memref<1x!tpu.dma_semaphore, #tpu.memory_space<semaphore_mem>>
        %dma_wait3A_278 = tpu.memref_squeeze %dma_wait3A_277 : memref<1x!tpu.dma_semaphore, #tpu.memory_space<semaphore_mem>> -> memref<!tpu.dma_semaphore, #tpu.memory_space<semaphore_mem>>
        %dma_wait3A_279 = arith.constant 0 : i32
        %dma_wait3A_280 = arith.constant 0 : i32
        %dma_wait3A_281 = tpu.memref_slice %arg10[%rem3A_265, %dma_wait3A_279, %dma_wait3A_280] : memref<8x32x128xf32, #tpu.memory_space<vmem>> -> memref<1x32x128xf32, #tpu.memory_space<vmem>>
        %dma_wait3A_282 = tpu.memref_squeeze %dma_wait3A_281 : memref<1x32x128xf32, #tpu.memory_space<vmem>> -> memref<32x128xf32, #tpu.memory_space<vmem>>
        %dma_wait3A_283 = arith.constant 0 : i32
        %dma_wait3A_284 = arith.constant 0 : i32
        %dma_wait3A_285 = tpu.memref_slice %arg2[%dma_wait3A_283, %dma_wait3A_284] : memref<262144x128xf32, #tpu.memory_space<hbm>> -> memref<32x128xf32, #tpu.memory_space<hbm>>
        tpu.wait_dma2 semaphore(%dma_wait3A_278 : memref<!tpu.dma_semaphore, #tpu.memory_space<semaphore_mem>>) src(%dma_wait3A_285 : memref<32x128xf32, #tpu.memory_space<hbm>>) dst(%dma_wait3A_282 : memref<32x128xf32, #tpu.memory_space<vmem>>)
      } else {
      }
      %ge3A_242 = arith.constant 3 : i32
      %ge3A_243 = arith.cmpi sge, %add3A_181, %ge3A_242 : i32
      %convert_element_type3A_244 = arith.extui %ge3A_243 : i1 to i32
      %cond3A_245 = arith.constant 0 : i32
      %cond3A_246 = arith.cmpi ne, %convert_element_type3A_244, %cond3A_245 : i32
      scf.if %cond3A_246 {
        %sub3A = arith.constant 3 : i32
        %sub3A_263 = arith.subi %add3A_181, %sub3A : i32
        %rem3A_264 = arith.constant 8 : i32
        %rem3A_265 = arith.remsi %sub3A_263, %rem3A_264 : i32
        %sub3A_266 = arith.constant 3 : i32
        %sub3A_267 = arith.subi %add3A_181, %sub3A_266 : i32
        %rem3A_268 = arith.constant 8 : i32
        %rem3A_269 = arith.remsi %sub3A_267, %rem3A_268 : i32
        %dma_wait3A_270 = arith.constant 0 : i32
        %dma_wait3A_271 = arith.constant 0 : i32
        %dma_wait3A_272 = tpu.memref_slice %arg10[%rem3A_265, %dma_wait3A_270, %dma_wait3A_271] : memref<8x32x128xf32, #tpu.memory_space<vmem>> -> memref<1x32x128xf32, #tpu.memory_space<vmem>>
        %dma_wait3A_273 = tpu.memref_squeeze %dma_wait3A_272 : memref<1x32x128xf32, #tpu.memory_space<vmem>> -> memref<32x128xf32, #tpu.memory_space<vmem>>
        %dma_wait3A_274 = arith.constant 0 : i32
        %dma_wait3A_275 = arith.constant 0 : i32
        %dma_wait3A_276 = tpu.memref_slice %arg2[%dma_wait3A_274, %dma_wait3A_275] : memref<262144x128xf32, #tpu.memory_space<hbm>> -> memref<32x128xf32, #tpu.memory_space<hbm>>
        %dma_wait3A_277 = tpu.memref_slice %arg14[%rem3A_269] : memref<8x!tpu.dma_semaphore, #tpu.memory_space<semaphore_mem>> -> memref<1x!tpu.dma_semaphore, #tpu.memory_space<semaphore_mem>>
        %dma_wait3A_278 = tpu.memref_squeeze %dma_wait3A_277 : memref<1x!tpu.dma_semaphore, #tpu.memory_space<semaphore_mem>> -> memref<!tpu.dma_semaphore, #tpu.memory_space<semaphore_mem>>
        %dma_wait3A_279 = arith.constant 0 : i32
        %dma_wait3A_280 = arith.constant 0 : i32
        %dma_wait3A_281 = tpu.memref_slice %arg10[%rem3A_265, %dma_wait3A_279, %dma_wait3A_280] : memref<8x32x128xf32, #tpu.memory_space<vmem>> -> memref<1x32x128xf32, #tpu.memory_space<vmem>>
        %dma_wait3A_282 = tpu.memref_squeeze %dma_wait3A_281 : memref<1x32x128xf32, #tpu.memory_space<vmem>> -> memref<32x128xf32, #tpu.memory_space<vmem>>
        %dma_wait3A_283 = arith.constant 0 : i32
        %dma_wait3A_284 = arith.constant 0 : i32
        %dma_wait3A_285 = tpu.memref_slice %arg2[%dma_wait3A_283, %dma_wait3A_284] : memref<262144x128xf32, #tpu.memory_space<hbm>> -> memref<32x128xf32, #tpu.memory_space<hbm>>
        tpu.wait_dma2 semaphore(%dma_wait3A_278 : memref<!tpu.dma_semaphore, #tpu.memory_space<semaphore_mem>>) src(%dma_wait3A_285 : memref<32x128xf32, #tpu.memory_space<hbm>>) dst(%dma_wait3A_282 : memref<32x128xf32, #tpu.memory_space<vmem>>)
      } else {
      }
      %ge3A_247 = arith.constant 2 : i32
      %ge3A_248 = arith.cmpi sge, %add3A_181, %ge3A_247 : i32
      %convert_element_type3A_249 = arith.extui %ge3A_248 : i1 to i32
      %cond3A_250 = arith.constant 0 : i32
      %cond3A_251 = arith.cmpi ne, %convert_element_type3A_249, %cond3A_250 : i32
      scf.if %cond3A_251 {
        %sub3A = arith.constant 2 : i32
        %sub3A_263 = arith.subi %add3A_181, %sub3A : i32
        %rem3A_264 = arith.constant 8 : i32
        %rem3A_265 = arith.remsi %sub3A_263, %rem3A_264 : i32
        %sub3A_266 = arith.constant 2 : i32
        %sub3A_267 = arith.subi %add3A_181, %sub3A_266 : i32
        %rem3A_268 = arith.constant 8 : i32
        %rem3A_269 = arith.remsi %sub3A_267, %rem3A_268 : i32
        %dma_wait3A_270 = arith.constant 0 : i32
        %dma_wait3A_271 = arith.constant 0 : i32
        %dma_wait3A_272 = tpu.memref_slice %arg10[%rem3A_265, %dma_wait3A_270, %dma_wait3A_271] : memref<8x32x128xf32, #tpu.memory_space<vmem>> -> memref<1x32x128xf32, #tpu.memory_space<vmem>>
        %dma_wait3A_273 = tpu.memref_squeeze %dma_wait3A_272 : memref<1x32x128xf32, #tpu.memory_space<vmem>> -> memref<32x128xf32, #tpu.memory_space<vmem>>
        %dma_wait3A_274 = arith.constant 0 : i32
        %dma_wait3A_275 = arith.constant 0 : i32
        %dma_wait3A_276 = tpu.memref_slice %arg2[%dma_wait3A_274, %dma_wait3A_275] : memref<262144x128xf32, #tpu.memory_space<hbm>> -> memref<32x128xf32, #tpu.memory_space<hbm>>
        %dma_wait3A_277 = tpu.memref_slice %arg14[%rem3A_269] : memref<8x!tpu.dma_semaphore, #tpu.memory_space<semaphore_mem>> -> memref<1x!tpu.dma_semaphore, #tpu.memory_space<semaphore_mem>>
        %dma_wait3A_278 = tpu.memref_squeeze %dma_wait3A_277 : memref<1x!tpu.dma_semaphore, #tpu.memory_space<semaphore_mem>> -> memref<!tpu.dma_semaphore, #tpu.memory_space<semaphore_mem>>
        %dma_wait3A_279 = arith.constant 0 : i32
        %dma_wait3A_280 = arith.constant 0 : i32
        %dma_wait3A_281 = tpu.memref_slice %arg10[%rem3A_265, %dma_wait3A_279, %dma_wait3A_280] : memref<8x32x128xf32, #tpu.memory_space<vmem>> -> memref<1x32x128xf32, #tpu.memory_space<vmem>>
        %dma_wait3A_282 = tpu.memref_squeeze %dma_wait3A_281 : memref<1x32x128xf32, #tpu.memory_space<vmem>> -> memref<32x128xf32, #tpu.memory_space<vmem>>
        %dma_wait3A_283 = arith.constant 0 : i32
        %dma_wait3A_284 = arith.constant 0 : i32
        %dma_wait3A_285 = tpu.memref_slice %arg2[%dma_wait3A_283, %dma_wait3A_284] : memref<262144x128xf32, #tpu.memory_space<hbm>> -> memref<32x128xf32, #tpu.memory_space<hbm>>
        tpu.wait_dma2 semaphore(%dma_wait3A_278 : memref<!tpu.dma_semaphore, #tpu.memory_space<semaphore_mem>>) src(%dma_wait3A_285 : memref<32x128xf32, #tpu.memory_space<hbm>>) dst(%dma_wait3A_282 : memref<32x128xf32, #tpu.memory_space<vmem>>)
      } else {
      }
      %ge3A_252 = arith.constant 1 : i32
      %ge3A_253 = arith.cmpi sge, %add3A_181, %ge3A_252 : i32
      %convert_element_type3A_254 = arith.extui %ge3A_253 : i1 to i32
      %cond3A_255 = arith.constant 0 : i32
      %cond3A_256 = arith.cmpi ne, %convert_element_type3A_254, %cond3A_255 : i32
      scf.if %cond3A_256 {
        %sub3A = arith.constant 1 : i32
        %sub3A_263 = arith.subi %add3A_181, %sub3A : i32
        %rem3A_264 = arith.constant 8 : i32
        %rem3A_265 = arith.remsi %sub3A_263, %rem3A_264 : i32
        %sub3A_266 = arith.constant 1 : i32
        %sub3A_267 = arith.subi %add3A_181, %sub3A_266 : i32
        %rem3A_268 = arith.constant 8 : i32
        %rem3A_269 = arith.remsi %sub3A_267, %rem3A_268 : i32
        %dma_wait3A_270 = arith.constant 0 : i32
        %dma_wait3A_271 = arith.constant 0 : i32
        %dma_wait3A_272 = tpu.memref_slice %arg10[%rem3A_265, %dma_wait3A_270, %dma_wait3A_271] : memref<8x32x128xf32, #tpu.memory_space<vmem>> -> memref<1x32x128xf32, #tpu.memory_space<vmem>>
        %dma_wait3A_273 = tpu.memref_squeeze %dma_wait3A_272 : memref<1x32x128xf32, #tpu.memory_space<vmem>> -> memref<32x128xf32, #tpu.memory_space<vmem>>
        %dma_wait3A_274 = arith.constant 0 : i32
        %dma_wait3A_275 = arith.constant 0 : i32
        %dma_wait3A_276 = tpu.memref_slice %arg2[%dma_wait3A_274, %dma_wait3A_275] : memref<262144x128xf32, #tpu.memory_space<hbm>> -> memref<32x128xf32, #tpu.memory_space<hbm>>
        %dma_wait3A_277 = tpu.memref_slice %arg14[%rem3A_269] : memref<8x!tpu.dma_semaphore, #tpu.memory_space<semaphore_mem>> -> memref<1x!tpu.dma_semaphore, #tpu.memory_space<semaphore_mem>>
        %dma_wait3A_278 = tpu.memref_squeeze %dma_wait3A_277 : memref<1x!tpu.dma_semaphore, #tpu.memory_space<semaphore_mem>> -> memref<!tpu.dma_semaphore, #tpu.memory_space<semaphore_mem>>
        %dma_wait3A_279 = arith.constant 0 : i32
        %dma_wait3A_280 = arith.constant 0 : i32
        %dma_wait3A_281 = tpu.memref_slice %arg10[%rem3A_265, %dma_wait3A_279, %dma_wait3A_280] : memref<8x32x128xf32, #tpu.memory_space<vmem>> -> memref<1x32x128xf32, #tpu.memory_space<vmem>>
        %dma_wait3A_282 = tpu.memref_squeeze %dma_wait3A_281 : memref<1x32x128xf32, #tpu.memory_space<vmem>> -> memref<32x128xf32, #tpu.memory_space<vmem>>
        %dma_wait3A_283 = arith.constant 0 : i32
        %dma_wait3A_284 = arith.constant 0 : i32
        %dma_wait3A_285 = tpu.memref_slice %arg2[%dma_wait3A_283, %dma_wait3A_284] : memref<262144x128xf32, #tpu.memory_space<hbm>> -> memref<32x128xf32, #tpu.memory_space<hbm>>
        tpu.wait_dma2 semaphore(%dma_wait3A_278 : memref<!tpu.dma_semaphore, #tpu.memory_space<semaphore_mem>>) src(%dma_wait3A_285 : memref<32x128xf32, #tpu.memory_space<hbm>>) dst(%dma_wait3A_282 : memref<32x128xf32, #tpu.memory_space<vmem>>)
      } else {
      }
      %barrier3A_257 = arith.constant 0 : index
      tpu.barrier barrier_id(%barrier3A_257)
      %mul3A_258 = arith.constant 512 : i32
      %mul3A_259 = arith.muli %arg1, %mul3A_258 : i32
      %mul3A_260 = arith.constant 512 : i32
      %mul3A_261 = arith.muli %arg1, %mul3A_260 : i32
      %add3A_262 = arith.addi %mul3A_21, %mul3A_261 : i32
      "tpu.region"() ({
        %run_scoped3A = tpu.sem_alloc : memref<!tpu.dma_semaphore, #tpu.memory_space<semaphore_mem>>
        %dma_start3A_263 = arith.constant 0 : i32
        %dma_start3A_264 = tpu.memref_slice %arg4[%add3A_262, %dma_start3A_263] : memref<245760x128xf32, #tpu.memory_space<hbm>> -> memref<512x128xf32, #tpu.memory_space<hbm>>
        %dma_start3A_265 = arith.constant 0 : i32
        %dma_start3A_266 = tpu.memref_slice %arg12[%mul3A_259, %dma_start3A_265] : memref<8200x128xf32, #tpu.memory_space<vmem_shared>> -> memref<512x128xf32, #tpu.memory_space<vmem_shared>>
        tpu.enqueue_dma source(%dma_start3A_266 : memref<512x128xf32, #tpu.memory_space<vmem_shared>>) target(%dma_start3A_264 : memref<512x128xf32, #tpu.memory_space<hbm>>) target_semaphore(%run_scoped3A : memref<!tpu.dma_semaphore, #tpu.memory_space<semaphore_mem>>)
        %dma_wait3A_267 = arith.constant 0 : i32
        %dma_wait3A_268 = tpu.memref_slice %arg4[%add3A_262, %dma_wait3A_267] : memref<245760x128xf32, #tpu.memory_space<hbm>> -> memref<512x128xf32, #tpu.memory_space<hbm>>
        %dma_wait3A_269 = arith.constant 0 : i32
        %dma_wait3A_270 = tpu.memref_slice %arg12[%mul3A_259, %dma_wait3A_269] : memref<8200x128xf32, #tpu.memory_space<vmem_shared>> -> memref<512x128xf32, #tpu.memory_space<vmem_shared>>
        tpu.wait_dma2 semaphore(%run_scoped3A : memref<!tpu.dma_semaphore, #tpu.memory_space<semaphore_mem>>) src(%dma_wait3A_270 : memref<512x128xf32, #tpu.memory_space<vmem_shared>>) dst(%dma_wait3A_268 : memref<512x128xf32, #tpu.memory_space<hbm>>)
        tpu.yield
      }) : () -> ()
    }
    %scan3A_16 = arith.constant 15 : i32
    return
  }
}

module attributes {stable_mosaic.version = 14 : i64} {
  func.func @_tc_body(%arg0: i32, %arg1: i32, %arg2: memref<1x15x512x128xf32, #tpu.memory_space<vmem>>, %arg3: memref<384x128xf32, #tpu.memory_space<vmem>>, %arg4: memref<1x128xf32, #tpu.memory_space<vmem>>, %arg5: memref<128x1xf32, #tpu.memory_space<vmem>>, %arg6: memref<1x1xf32, #tpu.memory_space<vmem>>, %arg7: memref<1x512x128xf32, #tpu.memory_space<vmem>>) attributes {dimension_semantics = [#tpu.dimension_semantics<arbitrary>, #tpu.dimension_semantics<arbitrary>], iteration_bounds = array<i64: 4, 8>, scalar_prefetch = 0 : i64, scratch_operands = 0 : i64, tpu.core_type = #tpu.core_type<tc>, window_params = [{transform_indices = @transform_0, window_bounds = array<i64: 1, 15, 512, 128>}, {pipeline_mode = #tpu.pipeline_mode<synchronous>, transform_indices = @transform_1, window_bounds = array<i64: 384, 128>}, {pipeline_mode = #tpu.pipeline_mode<synchronous>, transform_indices = @transform_2, window_bounds = array<i64: 1, 128>}, {pipeline_mode = #tpu.pipeline_mode<synchronous>, transform_indices = @transform_3, window_bounds = array<i64: 128, 1>}, {pipeline_mode = #tpu.pipeline_mode<synchronous>, transform_indices = @transform_4, window_bounds = array<i64: 1, 1>}, {transform_indices = @transform_5, window_bounds = array<i64: 1, 512, 128>}]} {
    %get3A = arith.constant 0 : index
    %get3A_0 = arith.constant 0 : index
    %get3A_1 = arith.constant 0 : index
    %get3A_2 = arith.constant 0 : index
    %get3A_3 = vector.load %arg2[%get3A, %get3A_0, %get3A_1, %get3A_2] : memref<1x15x512x128xf32, #tpu.memory_space<vmem>>, vector<1x15x512x128xf32>
    %get3A_4 = vector.shape_cast %get3A_3 : vector<1x15x512x128xf32> to vector<15x512x128xf32>
    %broadcast_in_dim3A = arith.constant 0.000000e+00 : f32
    %broadcast_in_dim3A_5 = vector.broadcast %broadcast_in_dim3A : f32 to vector<1x512x128xf32>
    %slice3A = vector.extract_strided_slice %get3A_4 {offsets = [0, 0, 0], sizes = [14, 512, 128], strides = [1, 1, 1]} : vector<15x512x128xf32> to vector<14x512x128xf32>
    %concatenate3A = tpu.concatenate %broadcast_in_dim3A_5, %slice3A in 0 : vector<1x512x128xf32>, vector<14x512x128xf32> -> vector<15x512x128xf32>
    %slice3A_6 = vector.extract_strided_slice %get3A_4 {offsets = [1, 0, 0], sizes = [14, 512, 128], strides = [1, 1, 1]} : vector<15x512x128xf32> to vector<14x512x128xf32>
    %concatenate3A_7 = tpu.concatenate %slice3A_6, %broadcast_in_dim3A_5 in 0 : vector<14x512x128xf32>, vector<1x512x128xf32> -> vector<15x512x128xf32>
    %concatenate3A_8 = tpu.concatenate %concatenate3A, %get3A_4, %concatenate3A_7 in 2 : vector<15x512x128xf32>, vector<15x512x128xf32>, vector<15x512x128xf32> -> vector<15x512x384xf32>
    %reshape3A = vector.shape_cast %concatenate3A_8 : vector<15x512x384xf32> to vector<7680x384xf32>
    %get3A_9 = arith.constant 0 : index
    %get3A_10 = arith.constant 0 : index
    %get3A_11 = vector.load %arg3[%get3A_9, %get3A_10] : memref<384x128xf32, #tpu.memory_space<vmem>>, vector<384x128xf32>
    %dot_general3A = arith.constant dense<0.000000e+00> : vector<7680x128xf32>
    %dot_general3A_12 = tpu.matmul %reshape3A, %get3A_11, %dot_general3A {dimension_numbers = #tpu.dot_dimension_numbers<[1], [0], [0], [1], [0, 0, 1, 1], [], []>, transpose_lhs_hint = false} : vector<7680x384xf32>, vector<384x128xf32>, vector<7680x128xf32> -> vector<7680x128xf32>
    %get3A_13 = arith.constant 0 : index
    %get3A_14 = arith.constant 0 : index
    %get3A_15 = vector.load %arg4[%get3A_13, %get3A_14] : memref<1x128xf32, #tpu.memory_space<vmem>>, vector<1x128xf32>
    %add3A = vector.broadcast %get3A_15 : vector<1x128xf32> to vector<7680x128xf32>
    %add3A_16 = arith.addf %dot_general3A_12, %add3A : vector<7680x128xf32>
    %get3A_17 = arith.constant 0 : index
    %get3A_18 = arith.constant 0 : index
    %get3A_19 = vector.load %arg5[%get3A_17, %get3A_18] : memref<128x1xf32, #tpu.memory_space<vmem>>, vector<128x1xf32>
    %dot_general3A_20 = arith.constant dense<0.000000e+00> : vector<7680x1xf32>
    %dot_general3A_21 = tpu.matmul %add3A_16, %get3A_19, %dot_general3A_20 {dimension_numbers = #tpu.dot_dimension_numbers<[1], [0], [0], [1], [0, 0, 1, 1], [], []>, transpose_lhs_hint = false} : vector<7680x128xf32>, vector<128x1xf32>, vector<7680x1xf32> -> vector<7680x1xf32>
    %reshape3A_22 = vector.shape_cast %dot_general3A_21 : vector<7680x1xf32> to vector<15x512xf32>
    %get3A_23 = arith.constant 0 : index
    %get3A_24 = arith.constant 0 : index
    %get3A_25 = vector.load %arg6[%get3A_23, %get3A_24] : memref<1x1xf32, #tpu.memory_space<vmem>>, vector<1x1xf32>
    %get3A_26 = vector.extract %get3A_25[0, 0] : f32 from vector<1x1xf32>
    %add3A_27 = vector.broadcast %get3A_26 : f32 to vector<15x512xf32>
    %add3A_28 = arith.addf %reshape3A_22, %add3A_27 : vector<15x512xf32>
    %reduce_max3A = arith.constant dense<0xFF800000> : vector<512xf32>
    %reduce_max3A_29 = vector.multi_reduction <maximumf>, %add3A_28, %reduce_max3A [0] : vector<15x512xf32> to vector<512xf32>
    %max3A = arith.constant 0xFF800000 : f32
    %max3A_30 = vector.broadcast %max3A : f32 to vector<512xf32>
    %max3A_31 = arith.maximumf %max3A_30, %reduce_max3A_29 : vector<512xf32>
    %broadcast_in_dim3A_32 = vector.shape_cast %max3A_31 : vector<512xf32> to vector<1x512xf32>
    %sub3A = vector.broadcast %broadcast_in_dim3A_32 : vector<1x512xf32> to vector<15x512xf32>
    %sub3A_33 = arith.subf %add3A_28, %sub3A : vector<15x512xf32>
    %exp3A = math.exp %sub3A_33 : vector<15x512xf32>
    %reduce_sum3A = arith.constant dense<0.000000e+00> : vector<512xf32>
    %reduce_sum3A_34 = vector.multi_reduction <add>, %exp3A, %reduce_sum3A [0] : vector<15x512xf32> to vector<512xf32>
    %broadcast_in_dim3A_35 = vector.shape_cast %reduce_sum3A_34 : vector<512xf32> to vector<1x512xf32>
    %div3A = vector.broadcast %broadcast_in_dim3A_35 : vector<1x512xf32> to vector<15x512xf32>
    %div3A_36 = arith.divf %exp3A, %div3A : vector<15x512xf32>
    %reshape3A_37 = vector.shape_cast %add3A_16 : vector<7680x128xf32> to vector<15x512x128xf32>
    %broadcast_in_dim3A_38 = vector.shape_cast %div3A_36 : vector<15x512xf32> to vector<15x512x1xf32>
    %mul3A = vector.broadcast %broadcast_in_dim3A_38 : vector<15x512x1xf32> to vector<15x512x128xf32>
    %mul3A_39 = arith.mulf %reshape3A_37, %mul3A : vector<15x512x128xf32>
    %reduce_sum3A_40 = arith.constant dense<0.000000e+00> : vector<512x128xf32>
    %reduce_sum3A_41 = vector.multi_reduction <add>, %mul3A_39, %reduce_sum3A_40 [0] : vector<15x512x128xf32> to vector<512x128xf32>
    %swap3A = arith.constant 0 : index
    %swap3A_42 = arith.constant 0 : index
    %swap3A_43 = arith.constant 0 : index
    %swap3A_44 = vector.load %arg7[%swap3A, %swap3A_42, %swap3A_43] : memref<1x512x128xf32, #tpu.memory_space<vmem>>, vector<1x512x128xf32>
    %swap3A_45 = vector.shape_cast %swap3A_44 : vector<1x512x128xf32> to vector<512x128xf32>
    %swap3A_46 = vector.shape_cast %reduce_sum3A_41 : vector<512x128xf32> to vector<1x512x128xf32>
    tpu.vector_store %arg7[%swap3A, %swap3A_42, %swap3A_43], %swap3A_46 {strides = array<i32>} : memref<1x512x128xf32, #tpu.memory_space<vmem>>, vector<1x512x128xf32>,
    return
  }
  func.func @transform_0(%arg0: i32, %arg1: i32) -> (i32, i32, i32, i32) {
    %c0_i32 = arith.constant 0 : i32
    %c0_i32_0 = arith.constant 0 : i32
    %c0_i32_1 = arith.constant 0 : i32
    return %arg0, %c0_i32, %arg1, %c0_i32_0 : i32, i32, i32, i32
  }
  func.func @transform_1(%arg0: i32, %arg1: i32) -> (i32, i32) {
    %c0_i32 = arith.constant 0 : i32
    %c0_i32_0 = arith.constant 0 : i32
    %c0_i32_1 = arith.constant 0 : i32
    return %c0_i32, %c0_i32_0 : i32, i32
  }
  func.func @transform_2(%arg0: i32, %arg1: i32) -> (i32, i32) {
    %c0_i32 = arith.constant 0 : i32
    %c0_i32_0 = arith.constant 0 : i32
    %c0_i32_1 = arith.constant 0 : i32
    return %c0_i32, %c0_i32_0 : i32, i32
  }
  func.func @transform_3(%arg0: i32, %arg1: i32) -> (i32, i32) {
    %c0_i32 = arith.constant 0 : i32
    %c0_i32_0 = arith.constant 0 : i32
    %c0_i32_1 = arith.constant 0 : i32
    return %c0_i32, %c0_i32_0 : i32, i32
  }
  func.func @transform_4(%arg0: i32, %arg1: i32) -> (i32, i32) {
    %c0_i32 = arith.constant 0 : i32
    %c0_i32_0 = arith.constant 0 : i32
    %c0_i32_1 = arith.constant 0 : i32
    return %c0_i32, %c0_i32_0 : i32, i32
  }
  func.func @transform_5(%arg0: i32, %arg1: i32) -> (i32, i32, i32) {
    %c0_i32 = arith.constant 0 : i32
    %c0_i32_0 = arith.constant 0 : i32
    return %arg0, %arg1, %c0_i32 : i32, i32, i32
  }
}

</mosaic_0001>

<sc_bundles>
// kernel: kernel.4.cloned.1.call-start
scs
__scs_entry_jumppad:
0x0: {  	(pc) =	sbr.rel $0x88, $3  }
0x1: {  	(tag) =	ssettag $0x0;
	lr =	simm.s32 $0x1  }
0x2: {  	[smem:$0x3F9B] =	sst lr;
	_ =	strace $0xD0000000  }
0x3: {  	_ = 	snop  }
0x4: {  	_ = 	snop  }
0x5: {  	_ = 	snop  }
0x6: {  	_ = 	snop  }
0x7: {  	_ = 	snop  }
__scs_overlays_trampoline_lowered:
0x8: {  	[smem:$0x3FAA] =	sst s0  }
0x9: {  	[smem:$0x3FAB] =	sst s1  }
0xa: {  	[smem:$0x3FAC] =	sst s2  }
0xb: {  	[smem:$0x3FAD] =	sst s3  }
0xc: {  	[smem:$0x3FAE] =	sst s4  }
0xd: {  	[smem:$0x3FAF] =	sst s5  }
0xe: {  	[smem:$0x3FB0] =	sst s6  }
0xf: {  	[smem:$0x3FB1] =	sst s7  }
0x10: {  	[smem:$0x3FB2] =	sst s8  }
0x11: {  	[smem:$0x3FB3] =	sst s9;
	s0 =	simm.s32 @!p0 $0x0  }
0x12: {  	s1 =	sld [smem:$0x3F99];
	s0 =	simm.s32 @p0 $0x1  }
0x13: {  	[smem:$0x3FB4] =	sst s0;
	s0 =	simm.s32 @!p1 $0x0  }
0x14: {  	s2 =	sld [smem:$0x3F98];
	s0 =	simm.s32 @p1 $0x1  }
0x15: {  	[smem:$0x3FB5] =	sst s0;
	s0 =	simm.s32 @!p2 $0x0  }
0x16: {  	s3 =	sld [smem:$0x3FDB];
	s0 =	simm.s32 @p2 $0x1  }
0x17: {  	s4 =	simm.s32 $0x1BF5;
	[smem:$0x3FB7] =	sst s0  }
0x18: {  	s0 =	sld [smem:$0x3F9A];
	_ =	swait.ge [sflag:s4], $0x0  }
0x19: {  	s7 =	sld [smem:$0x3F9B]  }
0x1a: {  	s8 =	sadd.s32 $0xFFFFE003, lr  }
0x1b: {  	s9 =	sadd.s32 $0xFFFFFEF7, lr;
	s5 =	simm.s32 $0xFFFFFFFF;
	p2 =	slt.u32 s8, $0xFFFFF086  }
0x1c: {  	p1 =	slt.u32 s9, $0xF7A;
	s5 =	simm.s32 @!p2 $0x0  }
0x1d: {  	s5 =	simm.s32 @p1 $0x1;
	p0 =	seq.s32 s7, s2  }
0x1e: {  	s7 =	smul.u32 @!p0 $0xF7A, s2;
	p2 =	seq.s32 @!p0 s5, $0x0  }
0x1f: {  	s9 =	smul.u32 $0xF7A, s1;
	s8 =	simm.s32 @!p0 $0x1BF5;
	p2 =	por !p2, p0  }
0x20: {  	[sflag:s8] =	ssyncset.s32 @!p0 $0xFFFFF086;
	s6 =	sadd.s32 @!p0 s3, s7;
	s7 =	simm.s32 @!p0 $0x108  }
0x21: {  	s3 =	sadd.s32 s3, s9;
	s6 =	sadd.s32 @!p0 $0x88, s6;
	s7 =	simm.s32 @p2 $0x1082  }
0x22: {  	[simem:s7], [sflag:s8] =	dma.local @!p0 [hbm:s6], $0xF7A  }
0x23: {  	s9 =	sor.u32 $0xD0000000, s2;
	s6 =	simm.s32 $0x108;
	_ =	swait.ge @!p0 [sflag:s8], $0x0  }
0x24: {  	s3 =	sadd.s32 $0x88, s3;
	s6 =	simm.s32 @!p1 $0x1082;
	[sflag:s4] =	ssyncset.s32 $0xFFFFF086  }
0x25: {  	[simem:s6], [sflag:s4] =	dma.local [hbm:s3], $0xF7A  }
0x26: {  	[smem:$0x3F9B] =	sst s1;
	(tag) =	ssettag s2;
	_ =	strace s9  }
0x27: {  	s1 =	sld [smem:$0x3FAB]  }
0x28: {  	s2 =	sld [smem:$0x3FAC]  }
0x29: {  	s4 =	sld [smem:$0x3FAE]  }
0x2a: {  	p0 =	seq.s32 s5, $0x0;
	s5 =	sld [smem:$0x3FAF]  }
0x2b: {  	s6 =	sld [smem:$0x3FB0]  }
0x2c: {  	s7 =	sld [smem:$0x3FB1]  }
0x2d: {  	s3 =	simm.s32 $0x108;
	s8 =	sld [smem:$0x3FB2]  }
0x2e: {  	s3 =	simm.s32 @!p0 $0x1082;
	s9 =	sld [smem:$0x3FB3]  }
0x2f: {  	lr =	sadd.s32 s0, s3;
	s0 =	sld [smem:$0x3FAA]  }
0x30: {  	s3 =	sld [smem:$0x3FAD]  }
0x31: {  	[smem:$0x3FB6] =	sst s10  }
0x32: {  	s10 =	sld [smem:$0x3FB4];
	_ =	sdelay $0x3  }
0x33: {  	p0 =	seq.s32 s10, $0x1;
	s10 =	sld [smem:$0x3FB6];
	_ =	sdelay $0x3  }
0x34: {  	[smem:$0x3FB6] =	sst s10  }
0x35: {  	s10 =	sld [smem:$0x3FB5];
	_ =	sdelay $0x3  }
0x36: {  	p1 =	seq.s32 s10, $0x1;
	s10 =	sld [smem:$0x3FB6];
	_ =	sdelay $0x3  }
0x37: {  	[smem:$0x3FB6] =	sst s10  }
0x38: {  	s10 =	sld [smem:$0x3FB7]  }
0x39: {  	_ = 	snop;
	(pc) =	sbr.ind lr, $3  }
0x3a: {  	_ = 	snop  }
0x3b: {  	_ = 	snop  }
0x3c: {  	p2 =	seq.s32 s10, $0x1;
	s10 =	sld [smem:$0x3FB6]  }
0x3d: {  	_ =	shalt  }
0x3e: {  	_ =	shalt  }
0x3f: {  	_ =	shalt  }
0x40: {  	_ =	shalt  }
0x41: {  	_ =	shalt  }
0x42: {  	_ =	shalt  }
0x43: {  	_ =	shalt  }
0x44: {  	_ =	shalt  }
0x45: {  	_ =	shalt  }
0x46: {  	_ =	shalt  }
0x47: {  	_ =	shalt  }
0x48: {  	_ =	shalt  }
0x49: {  	_ =	shalt  }
0x4a: {  	_ =	shalt  }
0x4b: {  	_ =	shalt  }
0x4c: {  	_ =	shalt  }
0x4d: {  	_ =	shalt  }
0x4e: {  	_ =	shalt  }
0x4f: {  	_ =	shalt  }
0x50: {  	_ =	shalt  }
0x51: {  	_ =	shalt  }
0x52: {  	_ =	shalt  }
0x53: {  	_ =	shalt  }
0x54: {  	_ =	shalt  }
0x55: {  	_ =	shalt  }
0x56: {  	_ =	shalt  }
0x57: {  	_ =	shalt  }
0x58: {  	_ =	shalt  }
0x59: {  	_ =	shalt  }
0x5a: {  	_ =	shalt  }
0x5b: {  	_ =	shalt  }
0x5c: {  	_ =	shalt  }
0x5d: {  	_ =	shalt  }
0x5e: {  	_ =	shalt  }
0x5f: {  	_ =	shalt  }
0x60: {  	_ =	shalt  }
0x61: {  	_ =	shalt  }
0x62: {  	_ =	shalt  }
0x63: {  	_ =	shalt  }
0x64: {  	_ =	shalt  }
0x65: {  	_ =	shalt  }
0x66: {  	_ =	shalt  }
0x67: {  	_ =	shalt  }
0x68: {  	_ =	shalt  }
0x69: {  	_ =	shalt  }
0x6a: {  	_ =	shalt  }
0x6b: {  	_ =	shalt  }
0x6c: {  	_ =	shalt  }
0x6d: {  	_ =	shalt  }
0x6e: {  	_ =	shalt  }
0x6f: {  	_ =	shalt  }
0x70: {  	_ =	shalt  }
0x71: {  	_ =	shalt  }
0x72: {  	_ =	shalt  }
0x73: {  	_ =	shalt  }
0x74: {  	_ =	shalt  }
0x75: {  	_ =	shalt  }
0x76: {  	_ =	shalt  }
0x77: {  	_ =	shalt  }
0x78: {  	_ =	shalt  }
0x79: {  	_ =	shalt  }
0x7a: {  	_ =	shalt  }
0x7b: {  	_ =	shalt  }
0x7c: {  	_ =	shalt  }
0x7d: {  	_ =	shalt  }
0x7e: {  	_ =	shalt  }
0x7f: {  	_ =	shalt  }
0x80: {  	_ =	shalt  }
0x81: {  	_ =	shalt  }
0x82: {  	_ =	shalt  }
0x83: {  	_ =	shalt  }
0x84: {  	_ =	shalt  }
0x85: {  	_ =	shalt  }
0x86: {  	_ =	shalt  }
0x87: {  	_ =	shalt  }
.Lfunc_end0:
.L_simem_size_0:
called_computation_lowered:
.L_overlay_start_0:
0x88: {  	s2 =	sld [smem:$0x3FD9]  }
0x89: {  	s3 =	sld [smem:$0x3FFE];
	_ =	sdelay $0x1  }
0x8a: {  	s1 =	srdreg.scid  }
0x8b: {  	s0 =	sand.u32 $0x1, s1  }
0x8c: {  	s17 =	sshll.u32 s0, $0xA;
	s2 =	sadd.s32 s3, s2  }
0x8d: {  	s2 =	sadd.s32 s2, s17  }
0x8e: {  	[smem:$0x3FC2] =	sst s2  }
0x8f: {  	_ = 	snop  }
0x90: {  	s2 =	sld [smem:$0x3FC9]  }
0x91: {  	s18 =	sld [smem:$0x3FC8];
	(tm) =	ssettm $0x1  }
0x92: {  	s4 =	sld [smem:$0x3FFB];
	_ =	sdelay $0x3  }
0x93: {  	_ =	strace s4  }
0x94: {  	s4 =	sld [smem:$0x3FFC];
	_ =	sdelay $0x3  }
0x95: {  	_ =	strace s4  }
0x96: {  	s4 =	sld [smem:$0x3FFD];
	_ =	sdelay $0x3  }
0x97: {  	_ =	strace s4  }
0x98: {  	_ =	strace $0x8FFFFFFF  }
0x99: {  	s19 =	sld [smem:$0x3FDB];
	_ =	sdelay $0x1  }
0x9a: {  	s5 =	simm.s32 $_scs_section_size  }
0x9b: {  	s6 =	simm.s32 $_size__tile_overlayer_lowered;
	s7 =	simm.s32 $_tile_overlayer_lowered  }
0x9c: {  	s22 =	simm.s32 $0x1BFF;
	s21 =	sshll.u32 s7, $0x1;
	s4 =	sadd.s32 s5, s19  }
0x9d: {  	s8 =	simm.s32 $0x0;
	s20 =	sshll.u32 s6, $0x1;
	s6 =	sadd.s32 s21, s4  }
0x9e: {  	[timem:s8], [sflag:s22] =	dma.local [hbm:s6], s20  }
0x9f: {  	_ =	swait.ge [sflag:s22], s20  }
0xa0: {  	s5 =	ssub.s32 $0x0, s20;
	[sflag:s22] =	ssyncset.done $0x0  }
0xa1: {  	[sflag:s22] =	ssyncadd.s32 s5;
	_ =	sdelay $0x1  }
0xa2: {  	s23 =	simm.s32 $0x1B8B  }
0xa3: {  	_ =	swait.ge [sflag:s23], $0x1  }
0xa4: {  	[sflag:s23] =	ssyncset.done $0x0  }
0xa5: {  	s25 =	simm.s32 $0x1B8E;
	s24 =	sld [smem:$0x3FFE];
	[sflag:s23] =	ssyncadd.s32 $0xFFFFFFFF  }
0xa6: {  	s26 =	simm.s32 $execute0_lowered;
	[smem:$0x3FD2] =	sst s25  }
0xa7: {  	s6 =	sshll.u32 s26, $0x1;
	_ =	strace $0x80000046;
	[dreg:$0x1] =	wrdreg $0xFFFFFFFF  }
0xa8: {  	s28 =	simm.s32 $_size_execute0_lowered;
	s4 =	sadd.s32 s4, s6;
	[dreg:$0x0] =	wrdreg $0x0  }
0xa9: {  	s6 =	sshll.u32 s28, $0x1;
	[dreg:$0x2] =	wrdreg s4  }
0xaa: {  	[dreg:$0x3] =	wrdreg s6  }
0xab: {  	[dreg:$0x4] =	wrdreg $0xC0  }
0xac: {  	_ =	task [dreg:s8], $0x5FFFF  }
0xad: {  	[dreg:$0x1] =	wrdreg $0xFFFFFFFF  }
0xae: {  	[dreg:$0x0] =	wrdreg $0x60  }
0xaf: {  	[dreg:$0x2] =	wrdreg s2  }
0xb0: {  	[dreg:$0x3] =	wrdreg s18  }
0xb1: {  	[dreg:$0x4] =	wrdreg s24  }
0xb2: {  	[dreg:$0x5] =	wrdreg $0xF9000  }
0xb3: {  	[dreg:$0x6] =	wrdreg $0x9  }
0xb4: {  	_ =	task.clear_ibuf [dreg:s8], $0x7FFFF;
	_ =	strace $0x90000046  }
0xb5: {  	s29 =	simm.s32 $0x9;
	_ =	strace $0x80000048  }
0xb6: {  	_ =	swait.ge [sflag:s29], $0x1  }
0xb7: {  	[sflag:s29] =	ssyncadd.s32 $0xFFFFFFFF  }
0xb8: {  	_ =	strace $0x90000048  }
0xb9: {  	_ =	sfence  }
0xba: {  	s30 =	sld [smem:$0x0];
	_ =	sdelay $0x2  }
0xbb: {  	s31 =	sshll.u32 s1, $0xD;
	s1 =	sshrl.u32 s1, $0x2  }
0xbc: {  	s3 =	sand.u32 $0x4000, s31;
	s1 =	sadd.s32 s1, s30  }
0xbd: {  	s0 =	sor.u32 s3, s0;
	s1 =	sshll.u32 s1, $0x11  }
0xbe: {  	s0 =	sor.u32 s1, s0  }
0xbf: {  	s0 =	sadd.s32 $0x8F2B, s0  }
0xc0: {  	[sflag:s0] =	ssyncadd.remote.s32 $0x1  }
0xc1: {  	_ =	sfence.sel $0xFFFF  }
0xc2: {  	[dreg:$0x0] =	wrdreg $0xFFFFFFFF;
	(pc) =	sbr.abs _section_cstart, $3  }
0xc3: {  	[dreg:$0x1] =	wrdreg $0xFFFFFFFF  }
0xc4: {  	_ =	task.clear_ibuf [dreg:s8], $0x2FFFF;
	_ =	strace $0x9FFFFFFF  }
0xc5: {  	(tm) =	ssettm $0x7FFFFFFF  }
tec
execute0_lowered:
.L_overlay_start_1:
0x0: {  	(tag) =	ssettag $0x1  }
0x1: {  	s1 =	rddreg [dreg:$0x0]  }
0x2: {  	s0 =	rddreg [dreg:$0x1]  }
0x3: {  	s3 =	rddreg [dreg:$0x2]  }
0x4: {  	s2 =	rddreg [dreg:$0x3]  }
0x5: {  	s4 =	srdreg.scid;
	s5 =	simm.s32 $0x0;
	s8 =	stileid.u32  }
0x6: {  	s4 =	sand.u32 $0x1, s4;
	[smem:$0x7FF] =	sst s5;
	s6 =	sshll.u32 s8, $0xD  }
0x7: {  	s19 =	sshll.u32 s8, $0x10;
	s20 =	sshll.u32 s8, $0xE;
	s21 =	sshll.u32 s8, $0xB  }
0x8: {  	s18 =	ssub.s32 $0x2, s4;
	_ =	strace $0x80000047;
	s3 =	sadd.s32 s6, s3  }
0x9: {  	[dreg:$0x5] =	wrdreg s20;
	s0 =	sadd.s32 s0, s21;
	s22 =	smul.u32 $0xF, s4  }
0xa: {  	s6 =	sadd.s32 s19, s2;
	s19 =	simm.s32 $0xD900;
	[dreg:$0x6] =	wrdreg s0  }
0xb: {  	s20 =	simm.s32 $0x11;
	s23 =	sadd.s32 $0x2000, s6;
	[dreg:$0x7] =	wrdreg s22  }
0xc: {  	s21 =	simm.s32 $0x4000;
	s24 =	sadd.s32 $0x4000, s6;
	[dreg:$0x8] =	wrdreg s23  }
0xd: {  	s7 =	sshrl.u32 s18, $0x1;
	s25 =	sadd.s32 $0x6000, s6;
	[dreg:$0x9] =	wrdreg s24  }
0xe: {  	s26 =	sadd.s32 $0x8000, s6;
	s28 =	sadd.s32 $0xA000, s6;
	[dreg:$0xa] =	wrdreg s25  }
.Ltmp0:
0xf: {  	s29 =	sadd.s32 $0xC000, s6;
	[dreg:$0xb] =	wrdreg s26;
	(pc) =	sbr.rel .LBB2_1-.Ltmp0, $4  }
0x10: {  	s30 =	sadd.s32 $0xE000, s6;
	s16 =	sadd.s32 $0xA00, s3;
	[dreg:$0xc] =	wrdreg s28  }
0x11: {  	s3 =	simm.s32 $0x0;
	s5 =	ssub.s32 s18, s7;
	[dreg:$0xd] =	wrdreg s29  }
0x12: {  	v0 =	vimm.f32 $0.0e+00;
	[dreg:$0xe] =	wrdreg s30;
	s18 =	simm.s32 $0x12;
	s31 =	smax.u32 s5, $0x1  }
0x13: {  	v1 =	vlaneseq.u32;
	v2 =	vimm.s32 $0x0;
	v3 =	vimm.s32 $0x2000;
	s22 =	simm.s32 $0x4880;
	s23 =	simm.s32 $0x20;
	[dreg:$0xf] =	wrdreg s31  }
.LBB2_43:
0x14: {  	s3 =	rddreg [dreg:$0x10]  }
0x15: {  	s0 =	rddreg [dreg:$0xf];
	s3 =	sadd.s32 $0x1, s3  }
0x16: {  	p0 =	sne.s32 s3, s0  }
.Ltmp1:
0x17: {  	_ = 	snop;
	(pc) =	sbr.rel @!p0 .LBB2_44-.Ltmp1, $1  }
0x18: {  	_ =	sdelay $0x3  }
.LBB2_1:
0x19: {  	[dreg:$0x10] =	wrdreg s3  }
0x1a: {  	s0 =	simm.s32 $0x0;
	s31 =	rddreg [dreg:$0x6]  }
0x1b: {  	[tilespmem:s0], [sflag:$0x12] =	stream.linear.gather [hbm4b:s31+s0], $0x4000, $0x38;
	[tilespmem:$0x1F940] =	vst v63  }
0x1c: {  	_ =	swait.ge [sflag:s18], $0x4000  }
0x1d: {  	[sflag:s18] =	ssyncset.done $0x0  }
0x1e: {  	s3 =	simm.s32 $0x200;
	s0 =	simm.s32 $0x0;
	[sflag:s18] =	ssyncadd.s32 $0xFFFFC000  }
.LBB2_2:
0x1f: {  	p0 =	sne.s32 s3, $0x7E00;
	[tilespmem:s0+$0xD970] =	vst v0  }
0x20: {  	[tilespmem:s0+$0xD900] =	vst v0  }
0x21: {  	[tilespmem:s0+$0xD910] =	vst v0  }
.Ltmp2:
0x22: {  	[tilespmem:s0+$0xD920] =	vst v0;
	(pc) =	sbr.rel @p0 .LBB2_2-.Ltmp2, $4  }
0x23: {  	[tilespmem:s0+$0xD930] =	vst v0  }
0x24: {  	[tilespmem:s0+$0xD940] =	vst v0  }
0x25: {  	[tilespmem:s0+$0xD950] =	vst v0  }
0x26: {  	[tilespmem:s0+$0xD960] =	vst v0;
	s0 =	sshra.s32 s3, $0x2;
	s3 =	sadd.s32 $0x200, s3  }
0x27: {  	[tilespmem:s0+$0xD970] =	vst v0  }
0x28: {  	[tilespmem:s0+$0xD900] =	vst v0  }
0x29: {  	[tilespmem:s0+$0xD910] =	vst v0  }
0x2a: {  	[tilespmem:s0+$0xD920] =	vst v0  }
0x2b: {  	[tilespmem:s0+$0xD930] =	vst v0  }
0x2c: {  	[tilespmem:s0+$0xD940] =	vst v0  }
0x2d: {  	[tilespmem:s0+$0xD950] =	vst v0  }
0x2e: {  	s25 =	simm.s32 $0x0;
	[tilespmem:s0+$0xD960] =	vst v0  }
.LBB2_4:
0x2f: {  	[spmem:s6] =	stream.linear.scatter [tilespmem:s19], [sflag:$0x11], $0x2000, $0x38;
	[tilespmem:$0x1F940] =	vst v63  }
0x30: {  	s0 =	rddreg [dreg:$0x8]  }
0x31: {  	[spmem:s0] =	stream.linear.scatter [tilespmem:s19], [sflag:$0x11], $0x2000, $0x38;
	[tilespmem:$0x1F940] =	vst v63  }
0x32: {  	s14 =	rddreg [dreg:$0x9]  }
0x33: {  	[spmem:s14] =	stream.linear.scatter [tilespmem:s19], [sflag:$0x11], $0x2000, $0x38;
	[tilespmem:$0x1F940] =	vst v63  }
0x34: {  	s15 =	rddreg [dreg:$0xa]  }
0x35: {  	[spmem:s15] =	stream.linear.scatter [tilespmem:s19], [sflag:$0x11], $0x2000, $0x38;
	[tilespmem:$0x1F940] =	vst v63  }
0x36: {  	s17 =	rddreg [dreg:$0xb]  }
0x37: {  	[spmem:s17] =	stream.linear.scatter [tilespmem:s19], [sflag:$0x11], $0x2000, $0x38;
	[tilespmem:$0x1F940] =	vst v63  }
0x38: {  	s24 =	rddreg [dreg:$0xc]  }
0x39: {  	[spmem:s24] =	stream.linear.scatter [tilespmem:s19], [sflag:$0x11], $0x2000, $0x38;
	[tilespmem:$0x1F940] =	vst v63  }
0x3a: {  	s26 =	rddreg [dreg:$0xd]  }
0x3b: {  	[spmem:s26] =	stream.linear.scatter [tilespmem:s19], [sflag:$0x11], $0x2000, $0x38;
	[tilespmem:$0x1F940] =	vst v63  }
0x3c: {  	s28 =	rddreg [dreg:$0xe]  }
0x3d: {  	[spmem:s28] =	stream.linear.scatter [tilespmem:s19], [sflag:$0x11], $0x2000, $0x38;
	[tilespmem:$0x1F940] =	vst v63  }
0x3e: {  	_ =	swait.ge [sflag:s20], $0x2000  }
0x3f: {  	[sflag:s20] =	ssyncset.done $0x0  }
0x40: {  	[sflag:s20] =	ssyncadd.s32 $0xFFFFE000  }
0x41: {  	_ =	swait.ge [sflag:s20], $0x2000  }
0x42: {  	[sflag:s20] =	ssyncset.done $0x0  }
0x43: {  	[sflag:s20] =	ssyncadd.s32 $0xFFFFE000  }
0x44: {  	_ =	swait.ge [sflag:s20], $0x2000  }
0x45: {  	[sflag:s20] =	ssyncset.done $0x0  }
0x46: {  	[sflag:s20] =	ssyncadd.s32 $0xFFFFE000  }
0x47: {  	_ =	swait.ge [sflag:s20], $0x2000  }
0x48: {  	[sflag:s20] =	ssyncset.done $0x0  }
0x49: {  	[sflag:s20] =	ssyncadd.s32 $0xFFFFE000  }
0x4a: {  	_ =	swait.ge [sflag:s20], $0x2000  }
0x4b: {  	[sflag:s20] =	ssyncset.done $0x0  }
0x4c: {  	[sflag:s20] =	ssyncadd.s32 $0xFFFFE000  }
0x4d: {  	_ =	swait.ge [sflag:s20], $0x2000  }
0x4e: {  	[sflag:s20] =	ssyncset.done $0x0  }
0x4f: {  	[sflag:s20] =	ssyncadd.s32 $0xFFFFE000  }
0x50: {  	_ =	swait.ge [sflag:s20], $0x2000  }
0x51: {  	[sflag:s20] =	ssyncset.done $0x0  }
0x52: {  	[sflag:s20] =	ssyncadd.s32 $0xFFFFE000  }
0x53: {  	_ =	swait.ge [sflag:s20], $0x2000  }
.Ltmp3:
0x54: {  	s31 =	rddreg [dreg:$0x7];
	(pc) =	sbr.rel .LBB2_5-.Ltmp3, $4  }
0x55: {  	[sflag:s20] =	ssyncset.done $0x0;
	s26 =	sadd.s32 s31, s25  }
0x56: {  	[sflag:s20] =	ssyncadd.s32 $0xFFFFE000;
	s0 =	sshll.u32 s26, $0xD  }
0x57: {  	s30 =	simm.s32 $0x0;
	[bflag:$0x0] =	sbarrier.arrive $0xFFFF;
	s3 =	sadd.s32 $0x2000, s0  }
0x58: {  	s17 =	simm.s32 $0x0;
	v4 =	vmov s0;
	s29 =	rddreg [dreg:$0x5];
	s0 =	simm.s32 $0x0;
	v5 =	vmov s3  }
.LBB2_9:
0x59: {  	_ = 	snop  }
.LBB2_12:
0x5a: {  	s10 =	sadd.s32 @!p0 $0x1, s9  }
0x5b: {  	s13 =	sshll.u32 @!p0 s9, $0x7;
	s3 =	ssub.s32 s17, s3;
	p3 =	por p2, p0;
	[tilespmem:s8+$0x5510] =	vst @p1 v6  }
0x5c: {  	[tilespmem:s12], [sflag:s11] =	stream.indirect.gather @p1 [hbm4b:s1+s23], $0x80, s5, s23, $0xb8;
	[tilespmem:$0x1F940] =	vst v63  }
0x5d: {  	s8 =	simm.s32 @!p0 $0x20;
	s5 =	sshll.u32 @!p0 s9, $0xC;
	_ =	swait.ge @!p0 [sflag:s10], $0x1000  }
0x5e: {  	s11 =	sadd.s32 @!p0 $0x5100, s13;
	s9 =	sadd.s32 @!p0 $0x9, s9;
	[sflag:s10] =	ssyncset.done @!p0 $0x0  }
0x5f: {  	s5 =	sadd.s32 @!p0 $0x5900, s5;
	[sflag:s10] =	ssyncadd.s32 @!p0 $0xFFFFF000;
	s10 =	sadd.s32 @!p3 $0x9, s3  }
0x60: {  	[spmem:s2] =	stream.indirect.scatter.add.f32 @!p0 [tilespmem:s5], [sflag:s9], $0x80, s11, s8, $0xb8;
	[tilespmem:$0x1F940] =	vst v63  }
0x61: {  	_ =	swait.ge @!p3 [sflag:s10], $0x1000  }
0x62: {  	[sflag:s10] =	ssyncset.done @!p3 $0x0  }
0x63: {  	[sflag:s10] =	ssyncadd.s32 @!p3 $0xFFFFF000  }
0x64: {  	v6 =	vld [tilespmem:s7+$0xFFFFFFF0];
	_ =	sdelay $0x3  }
0x65: {  	s15 =	sshll.u32 s3, $0x7  }
0x66: {  	[tilespmem:s15+$0x5100] =	vst v6  }
0x67: {  	v6 =	vld [tilespmem:s4+$0xFFFFFFF0];
	_ =	sdelay $0x4  }
0x68: {  	[tilespmem:s15+$0x5500] =	vst v6  }
0x69: {  	v6 =	vld [tilespmem:s7+$0x0];
	_ =	sdelay $0x4  }
0x6a: {  	[tilespmem:s15+$0x5110] =	vst v6  }
0x6b: {  	v6 =	vld [tilespmem:s4+$0x0];
	_ =	sdelay $0x1  }
0x6c: {  	s17 =	sshll.u32 s3, $0xE  }
0x6d: {  	p1 =	por !p2, p0;
	s4 =	sshra.s32 s17, $0x2;
	s17 =	smov.u32 s28  }
0x6e: {  	s24 =	sadd.s32 $0x5500, s15;
	s17 =	simm.s32 @!p1 $0x8  }
0x6f: {  	s3 =	sadd.s32 $0x1, s3;
	s4 =	sadd.s32 $0x5900, s4;
	s17 =	smov.u32 @p0 s28;
	[tilespmem:s15+$0x5510] =	vst v6  }
0x70: {  	[tilespmem:s4], [sflag:s3] =	stream.indirect.gather [hbm4b:s1+s23], $0x80, s24, s23, $0xb8;
	[tilespmem:$0x1F940] =	vst v63  }
.LBB2_13:
0x71: {  	s0 =	sshll.u32 s0, $0x5  }
0x72: {  	v6 =	vld [tilespmem:s0+$0x4000];
	_ =	sdelay $0x4  }
0x73: {  	[tilespmem:$0x4000] =	vst v6  }
0x74: {  	v6 =	vld [tilespmem:s0+$0x4880];
	_ =	sdelay $0x4  }
0x75: {  	[tilespmem:$0x4880] =	vst v6  }
0x76: {  	v6 =	vld [tilespmem:s0+$0x4010];
	_ =	sdelay $0x4  }
0x77: {  	s30 =	sadd.s32 $0x1, s30;
	[tilespmem:$0x4010] =	vst v6  }
0x78: {  	p0 =	sne.s32 s30, $0x8;
	v6 =	vld [tilespmem:s0+$0x4890]  }
.Ltmp4:
0x79: {  	_ = 	snop;
	(pc) =	sbr.rel @!p0 .LBB2_14-.Ltmp4, $2  }
0x7a: {  	_ =	sdelay $0x2  }
0x7b: {  	s29 =	sadd.s32 $0x800, s29;
	s0 =	ssub.s32 s31, s0;
	[tilespmem:$0x4890] =	vst v6  }
.LBB2_5:
0x7c: {  	s4 =	simm.s32 $0x0  }
0x7d: {  	s3 =	sshll.u32 s30, $0xB;
	s5 =	sand.u32 $0x780, s4  }
0x7e: {  	s4 =	sand.u32 $0x70, s4;
	s5 =	sadd.s32 s5, s3  }
0x7f: {  	s4 =	sadd.s32 s4, s5  }
0x80: {  	v7 =	vld [tilespmem:s4+$0x0];
	_ =	sdelay $0x4  }
0x81: {  	vm0 =	vge.s32 v7, v4;
	vm1 =	vlt.s32 v7, v5  }
0x82: {  	vm0 =	vmand vm0, vm1  }
0x83: {  	v6 =	vsel vm0, $0x1, v2  }
0x84: {  	(xrf0) =	vadd.scan.msk.s32 $0xffff, v6;
	_ =	sdelay $0x5  }
0x85: {  	v6 =	vmov s0;
	v8, _, _ =	vpop (xrf0)  }
0x86: {  	v8 =	vadd.s32 v8, v6  }
0x87: {  	v8 =	vadd.s32 $0xFFFFFFFF, v8;
	_ =	sdelay $0x1  }
0x88: {  	v9 =	vmpcnt.ones.xlane vm0  }
0x89: {  	s31 =	sadd.s32 $0x0, s29;
	s0 =	simm.s32 $0x10  }
0x8a: {  	s7 =	sand.u32 $0x780, s0;
	v6 =	vadd.s32 v6, v9;
	v9 =	vor.u32 s31, v1  }
0x8b: {  	s4 =	simm.s32 $0x20;
	s5 =	sand.u32 $0x70, s0;
	s7 =	sadd.s32 s7, s3;
	[tilespmem:v8+s21+$0x0] =	vst.idx.msk vm0, v9;
	v9 =	vsub.s32 v7, v4;
	v7 =	vmov v6  }
.LBB2_6:
0x8c: {  	p0 =	sne.s32 s4, $0x7F0;
	s5 =	sadd.s32 s5, s7;
	[tilespmem:v8+s22+$0x0] =	vst.idx.msk vm0, v9  }
0x8d: {  	v9 =	vld [tilespmem:s5+$0x0];
	_ =	sdelay $0x4  }
0x8e: {  	vm0 =	vge.s32 v9, v4;
	vm1 =	vlt.s32 v9, v5  }
0x8f: {  	vm0 =	vmand vm0, vm1  }
0x90: {  	v8 =	vmpcnt.ones.xlane vm0;
	v10 =	vsel vm0, $0x1, v2  }
0x91: {  	(xrf0) =	vadd.scan.msk.s32 $0xffff, v10  }
0x92: {  	v6 =	vadd.s32 v6, v8;
	_ =	sdelay $0x4  }
0x93: {  	v8, _, _ =	vpop (xrf0)  }
0x94: {  	v8 =	vadd.s32 v8, v7;
	v7 =	vmov v6  }
0x95: {  	v8 =	vadd.s32 $0xFFFFFFFF, v8  }
.Ltmp5:
0x96: {  	(pc) =	sbr.rel @p0 .LBB2_6-.Ltmp5, $4  }
0x97: {  	_ = 	snop  }
0x98: {  	s5 =	sadd.s32 s0, s29;
	s0 =	smov.u32 s4  }
0x99: {  	s7 =	sand.u32 $0x780, s4;
	v10 =	vor.u32 s5, v1  }
0x9a: {  	s7 =	sadd.s32 s7, s3;
	s4 =	sadd.s32 $0x10, s4;
	v9 =	vsub.s32 v9, v4;
	s5 =	sand.u32 $0x70, s0;
	[tilespmem:v8+s21+$0x0] =	vst.idx.msk vm0, v10  }
0x9b: {  	_ =	sdelay $0x4  }
0x9c: {  	s3 =	sadd.s32 s5, s7;
	[tilespmem:v8+s22+$0x0] =	vst.idx.msk vm0, v9  }
0x9d: {  	v8 =	vld [tilespmem:s3+$0x0];
	_ =	sdelay $0x4  }
0x9e: {  	vm15 =	vge.s32 v8, v4;
	vm1 =	vlt.s32 v8, v5  }
0x9f: {  	vm0 =	vmand vm15, vm1  }
0xa0: {  	v63 =	vmpcnt.ones.xlane vm0;
	_ =	sdelay $0x1  }
0xa1: {  	v6 =	vadd.s32 v6, v63  }
0xa2: {  	(v2sf) =	vpush v6, $0x0;
	_ =	sdelay $0xb  }
0xa3: {  	v6 =	vsel vm0, $0x1, v2  }
0xa4: {  	(xrf0) =	vadd.scan.msk.s32 $0xffff, v6;
	_ =	sdelay $0x1  }
0xa5: {  	s31 =	spop (v2sf)  }
0xa6: {  	s24 =	sand.u32 $0x1F, s31  }
0xa7: {  	s4 =	sshra.s32 s31, $0x1F;
	p0 =	slt.s32 s31, $0x1;
	p1 =	sne.s32 s24, $0x0  }
0xa8: {  	s28 =	sshrl.u32 s4, $0x1B;
	p0 =	por !p0, !p1  }
0xa9: {  	v6, _, _ =	vpop (xrf0);
	s4 =	simm.s32 $0x1;
	s3 =	sadd.s32 s28, s31;
	p0 =	por !p0, !p0  }
0xaa: {  	s0 =	sadd.s32 s0, s29;
	v6 =	vadd.s32 v6, v7;
	s3 =	sshra.s32 s3, $0x5;
	s4 =	simm.s32 @!p0 $0x0  }
0xab: {  	v7 =	vor.u32 s0, v1;
	v6 =	vadd.s32 $0xFFFFFFFF, v6;
	s0 =	ssub.s32 s3, s4  }
0xac: {  	p0 =	slt.s32 s0, $0x1  }
.Ltmp6:
0xad: {  	_ = 	snop;
	(pc) =	sbr.rel @p0 .LBB2_13-.Ltmp6, $3  }
0xae: {  	_ =	sdelay $0x1  }
0xaf: {  	[tilespmem:v6+s21+$0x0] =	vst.idx.msk vm0, v7;
	v7 =	vsub.s32 v8, v4  }
0xb0: {  	[tilespmem:v6+s22+$0x0] =	vst.idx.msk vm0, v7  }
0xb1: {  	s10 =	sadd.s32 $0xFFFFFFFF, s0  }
0xb2: {  	p3 =	sne.s32 s10, $0x0  }
.Ltmp7:
0xb3: {  	_ = 	snop;
	(pc) =	sbr.rel @!p3 .LBB2_9-.Ltmp7, $4  }
0xb4: {  	s3 =	sshra.s32 s17, $0x1F;
	s4 =	simm.s32 $0x4010  }
0xb5: {  	s7 =	simm.s32 $0x4890;
	p0 =	slt.s32 s17, $0x7;
	s3 =	sshrl.u32 s3, $0x1D  }
0xb6: {  	s28 =	sadd.s32 $0x1, s17;
	p1 =	por $0x0, $0x0;
	s3 =	sadd.s32 s3, s17  }
0xb7: {  	s9 =	sand.u32 @!p0 $0x7, s28;
	p2 =	seq.s32 @!p0 s17, $0x7;
	s3 =	sand.u32 $0xFFFFFFF8, s3  }
0xb8: {  	s5 =	sadd.s32 @!p0 $0x1, s9  }
0xb9: {  	s8 =	sshll.u32 @!p0 s9, $0x7;
	s11 =	ssub.s32 s17, s3;
	p1 =	por p2, p0  }
0xba: {  	s3 =	sshll.u32 @!p0 s9, $0xC;
	s12 =	simm.s32 @!p0 $0x20;
	_ =	swait.ge @!p0 [sflag:s5], $0x1000  }
0xbb: {  	s9 =	sadd.s32 @!p0 $0x9, s9;
	s3 =	sadd.s32 @!p0 $0x5900, s3;
	[sflag:s5] =	ssyncset.done @!p0 $0x0  }
0xbc: {  	s8 =	sadd.s32 @!p0 $0x5100, s8;
	[sflag:s5] =	ssyncadd.s32 @!p0 $0xFFFFF000;
	s5 =	sadd.s32 @!p1 $0x9, s11  }
0xbd: {  	[spmem:s2] =	stream.indirect.scatter.add.f32 @!p0 [tilespmem:s3], [sflag:s9], $0x80, s8, s12, $0xb8;
	[tilespmem:$0x1F940] =	vst v63  }
0xbe: {  	_ =	swait.ge @!p1 [sflag:s5], $0x1000  }
0xbf: {  	[sflag:s5] =	ssyncset.done @!p1 $0x0  }
0xc0: {  	[sflag:s5] =	ssyncadd.s32 @!p1 $0xFFFFF000  }
0xc1: {  	v6 =	vld [tilespmem:s7+$0xFFFFFFF0];
	_ =	sdelay $0x3  }
0xc2: {  	s8 =	sshll.u32 s11, $0x7  }
0xc3: {  	[tilespmem:s8+$0x5100] =	vst v6  }
0xc4: {  	v6 =	vld [tilespmem:s4+$0xFFFFFFF0];
	_ =	sdelay $0x4  }
0xc5: {  	[tilespmem:s8+$0x5500] =	vst v6  }
0xc6: {  	v6 =	vld [tilespmem:s7+$0x0];
	_ =	sdelay $0x1  }
0xc7: {  	s17 =	smov.u32 s28;
	s24 =	sadd.s32 $0xFFFFFFFF, s10  }
0xc8: {  	s14 =	sshll.u32 s11, $0xE;
	p3 =	sne.s32 s24, $0x0;
	p1 =	por !p2, p0  }
0xc9: {  	s15 =	sshra.s32 s14, $0x2;
	s11 =	sadd.s32 $0x1, s11;
	s17 =	simm.s32 @!p1 $0x8  }
.Ltmp8:
0xca: {  	s12 =	sadd.s32 $0x5900, s15;
	s17 =	smov.u32 @p0 s28;
	[tilespmem:s8+$0x5110] =	vst v6;
	(pc) =	sbr.rel @!p3 .LBB2_12-.Ltmp8, $4  }
0xcb: {  	s5 =	sadd.s32 $0x5500, s8;
	p1 =	por $0x1, $0x1;
	s13 =	sshra.s32 s17, $0x1F;
	v6 =	vld [tilespmem:s4+$0x0]  }
0xcc: {  	p0 =	slt.s32 s17, $0x7;
	s28 =	sadd.s32 $0x1, s17;
	s3 =	sshrl.u32 s13, $0x1D  }
0xcd: {  	s9 =	sand.u32 @!p0 $0x7, s28;
	p2 =	seq.s32 @!p0 s17, $0x7;
	s3 =	sadd.s32 s3, s17  }
0xce: {  	s3 =	sand.u32 $0xFFFFFFF8, s3;
	s7 =	simm.s32 $0x48B0;
	s4 =	simm.s32 $0x4030  }
.LBB2_11:
0xcf: {  	s13 =	sadd.s32 @!p0 $0x1, s9;
	s14 =	sshll.u32 @!p0 s9, $0x7  }
0xd0: {  	p3 =	por !p2, p0;
	s10 =	ssub.s32 s17, s3;
	s17 =	smov.u32 s28  }
0xd1: {  	p2 =	por p2, p0;
	s17 =	simm.s32 @!p3 $0x8  }
0xd2: {  	s3 =	sshll.u32 @!p0 s9, $0xC;
	s15 =	simm.s32 @!p0 $0x20;
	s17 =	smov.u32 @p0 s28;
	[tilespmem:s8+$0x5510] =	vst v6  }
0xd3: {  	[tilespmem:s12], [sflag:s11] =	stream.indirect.gather [hbm4b:s1+s23], $0x80, s5, s23, $0xb8;
	[tilespmem:$0x1F940] =	vst v63  }
0xd4: {  	s3 =	sadd.s32 @!p0 $0x5900, s3;
	s5 =	sadd.s32 @!p0 $0x5100, s14;
	_ =	swait.ge @!p0 [sflag:s13], $0x1000  }
0xd5: {  	s9 =	sadd.s32 @!p0 $0x9, s9;
	s8 =	sshra.s32 s17, $0x1F;
	[sflag:s13] =	ssyncset.done @!p0 $0x0  }
0xd6: {  	s11 =	sadd.s32 @!p2 $0x9, s10;
	s8 =	sshrl.u32 s8, $0x1D;
	[sflag:s13] =	ssyncadd.s32 @!p0 $0xFFFFF000  }
0xd7: {  	[spmem:s2] =	stream.indirect.scatter.add.f32 @!p0 [tilespmem:s3], [sflag:s9], $0x80, s5, s15, $0xb8;
	[tilespmem:$0x1F940] =	vst v63  }
0xd8: {  	s3 =	sadd.s32 s8, s17;
	s5 =	sshll.u32 s10, $0xE;
	_ =	swait.ge @!p2 [sflag:s11], $0x1000  }
0xd9: {  	s3 =	sand.u32 $0xFFFFFFF8, s3;
	s12 =	sshra.s32 s5, $0x2;
	[sflag:s11] =	ssyncset.done @!p2 $0x0  }
0xda: {  	s24 =	sadd.s32 $0xFFFFFFFF, s24;
	[sflag:s11] =	ssyncadd.s32 @!p2 $0xFFFFF000  }
0xdb: {  	p3 =	sne.s32 s24, $0x0;
	v6 =	vld [tilespmem:s7+$0xFFFFFFF0];
	_ =	sdelay $0x3  }
0xdc: {  	s8 =	sshll.u32 s10, $0x7  }
0xdd: {  	[tilespmem:s8+$0x5100] =	vst v6  }
0xde: {  	v6 =	vld [tilespmem:s4+$0xFFFFFFF0];
	_ =	sdelay $0x4  }
0xdf: {  	[tilespmem:s8+$0x5500] =	vst v6  }
0xe0: {  	v6 =	vld [tilespmem:s7+$0x0];
	_ =	sdelay $0x3  }
.Ltmp9:
0xe1: {  	(pc) =	sbr.rel @p3 .LBB2_11-.Ltmp9, $4  }
0xe2: {  	[tilespmem:s8+$0x5110] =	vst v6  }
0xe3: {  	s11 =	sadd.s32 $0x1, s10;
	s7 =	sadd.s32 $0x20, s7;
	v6 =	vld [tilespmem:s4+$0x0];
	s4 =	sadd.s32 $0x20, s4  }
0xe4: {  	s28 =	sadd.s32 $0x1, s17;
	p0 =	slt.s32 s17, $0x7;
	s5 =	sadd.s32 $0x5500, s8  }
0xe5: {  	s9 =	sand.u32 @!p0 $0x7, s28;
	s12 =	sadd.s32 $0x5900, s12;
	p2 =	seq.s32 @!p0 s17, $0x7  }
.Ltmp10:
0xe6: {  	_ = 	snop;
	(pc) =	sbr.rel .LBB2_12-.Ltmp10, $1  }
0xe7: {  	_ =	sdelay $0x3  }
.LBB2_14:
0xe8: {  	[tilespmem:s0+$0x4000] =	vst v2  }
0xe9: {  	[tilespmem:s0+$0x4880] =	vst v3  }
0xea: {  	p0 =	slt.s32 s17, $0x7;
	s3 =	sadd.s32 $0x1, s17;
	[tilespmem:s0+$0x4010] =	vst v2;
	s13 =	sshra.s32 s17, $0x1F  }
0xeb: {  	[tilespmem:s0+$0x4890] =	vst v3;
	s4 =	sand.u32 @!p0 $0x7, s3;
	s0 =	sshrl.u32 s13, $0x1D  }
0xec: {  	s8 =	simm.s32 @!p0 $0x20;
	p1 =	seq.s32 @!p0 s17, $0x7;
	s5 =	sadd.s32 @!p0 $0x1, s4  }
0xed: {  	s0 =	sadd.s32 s0, s17;
	s7 =	sshll.u32 @!p0 s4, $0xC;
	_ =	swait.ge @!p0 [sflag:s5], $0x1000  }
0xee: {  	p2 =	por p1, p0;
	s7 =	sadd.s32 @!p0 $0x5900, s7;
	[sflag:s5] =	ssyncset.done @!p0 $0x0  }
0xef: {  	s0 =	sand.u32 $0xFFFFFFF8, s0;
	[sflag:s5] =	ssyncadd.s32 @!p0 $0xFFFFF000;
	s5 =	sshll.u32 @!p0 s4, $0x7  }
0xf0: {  	s0 =	ssub.s32 s17, s0;
	s4 =	sadd.s32 @!p0 $0x9, s4;
	s5 =	sadd.s32 @!p0 $0x5100, s5  }
0xf1: {  	[spmem:s2] =	stream.indirect.scatter.add.f32 @!p0 [tilespmem:s7], [sflag:s4], $0x80, s5, s8, $0xb8;
	[tilespmem:$0x1F940] =	vst v63  }
0xf2: {  	s4 =	sadd.s32 @!p2 $0x9, s0  }
0xf3: {  	_ =	swait.ge @!p2 [sflag:s4], $0x1000  }
0xf4: {  	[sflag:s4] =	ssyncset.done @!p2 $0x0  }
0xf5: {  	[sflag:s4] =	ssyncadd.s32 @!p2 $0xFFFFF000  }
0xf6: {  	v4 =	vld [tilespmem:$0x4880];
	_ =	sdelay $0x3  }
0xf7: {  	s7 =	sshll.u32 s0, $0x7  }
0xf8: {  	[tilespmem:s7+$0x5100] =	vst v4  }
0xf9: {  	v4 =	vld [tilespmem:$0x4000];
	_ =	sdelay $0x4  }
0xfa: {  	[tilespmem:s7+$0x5500] =	vst v4  }
0xfb: {  	v4 =	vld [tilespmem:$0x4890];
	_ =	sdelay $0x3  }
0xfc: {  	p1 =	por !p1, p0;
	s4 =	smov.u32 s3  }
0xfd: {  	s4 =	simm.s32 @!p1 $0x8;
	[tilespmem:s7+$0x5110] =	vst v4  }
0xfe: {  	s4 =	smov.u32 @p0 s3;
	v4 =	vld [tilespmem:$0x4010]  }
0xff: {  	p0 =	slt.s32 s4, $0x7  }
.Ltmp11:
0x100: {  	_ = 	snop;
	(pc) =	sbr.rel @p0 .LBB2_16-.Ltmp11, $4  }
0x101: {  	s28 =	sadd.s32 $0x2, s17;
	s14 =	sshll.u32 s0, $0xE  }
0x102: {  	s29 =	sand.u32 $0x7, s28;
	s15 =	sshra.s32 s14, $0x2  }
0x103: {  	s31 =	sadd.s32 $0x1, s0;
	s30 =	sadd.s32 $0x5900, s15;
	s24 =	sadd.s32 $0x5500, s7;
	[tilespmem:s7+$0x5510] =	vst v4  }
0x104: {  	[tilespmem:s30], [sflag:s31] =	stream.indirect.gather [hbm4b:s1+s23], $0x80, s24, s23, $0xb8;
	[tilespmem:$0x1F940] =	vst v63  }
.Ltmp12:
0x105: {  	s3 =	sadd.s32 $0x1, s29;
	(pc) =	sbr.rel .LBB2_17-.Ltmp12, $4  }
0x106: {  	s5 =	sshll.u32 s29, $0xC;
	_ =	swait.ge [sflag:s3], $0x1000  }
0x107: {  	s8 =	sshll.u32 s29, $0x7;
	s28 =	sadd.s32 $0x9, s29;
	[sflag:s3] =	ssyncset.done $0x0  }
0x108: {  	s5 =	sadd.s32 $0x5900, s5;
	s24 =	sadd.s32 $0x5100, s8;
	[sflag:s3] =	ssyncadd.s32 $0xFFFFF000  }
0x109: {  	[spmem:s2] =	stream.indirect.scatter.add.f32 [tilespmem:s5], [sflag:s28], $0x80, s24, s23, $0xb8;
	[tilespmem:$0x1F940] =	vst v63  }
.LBB2_16:
0x10a: {  	p1 =	sne.s32 s4, $0x6  }
.Ltmp13:
0x10b: {  	_ = 	snop;
	(pc) =	sbr.rel @p1 .LBB2_18-.Ltmp13, $1  }
0x10c: {  	_ =	sdelay $0x3  }
.LBB2_17:
0x10d: {  	s3 =	sadd.s32 $0x3, s17  }
0x10e: {  	s3 =	sand.u32 $0x7, s3  }
0x10f: {  	s5 =	sadd.s32 $0x1, s3  }
0x110: {  	p1 =	por $0x1, $0x1;
	s8 =	sshll.u32 s3, $0xC;
	_ =	swait.ge [sflag:s5], $0x1000  }
0x111: {  	s9 =	sshll.u32 s3, $0x7;
	s3 =	sadd.s32 $0x9, s3;
	[sflag:s5] =	ssyncset.done $0x0  }
0x112: {  	s8 =	sadd.s32 $0x5900, s8;
	s28 =	sadd.s32 $0x5100, s9;
	[sflag:s5] =	ssyncadd.s32 $0xFFFFF000  }
0x113: {  	[spmem:s2] =	stream.indirect.scatter.add.f32 [tilespmem:s8], [sflag:s3], $0x80, s28, s23, $0xb8;
	[tilespmem:$0x1F940] =	vst v63  }
.LBB2_19:
0x114: {  	s3 =	sand.u32 $0x7, s17  }
0x115: {  	s3 =	sxor.u32 $0x4, s3  }
0x116: {  	s5 =	sadd.s32 $0x1, s3  }
0x117: {  	p2 =	por $0x1, $0x1;
	s8 =	sshll.u32 s3, $0xC;
	_ =	swait.ge [sflag:s5], $0x1000  }
0x118: {  	s9 =	sshll.u32 s3, $0x7;
	s3 =	sadd.s32 $0x9, s3;
	[sflag:s5] =	ssyncset.done $0x0  }
0x119: {  	s8 =	sadd.s32 $0x5900, s8;
	s28 =	sadd.s32 $0x5100, s9;
	[sflag:s5] =	ssyncadd.s32 $0xFFFFF000  }
0x11a: {  	[spmem:s2] =	stream.indirect.scatter.add.f32 [tilespmem:s8], [sflag:s3], $0x80, s28, s23, $0xb8;
	[tilespmem:$0x1F940] =	vst v63  }
.LBB2_21:
0x11b: {  	s3 =	sadd.s32 $0x5, s17  }
0x11c: {  	s3 =	sand.u32 $0x7, s3  }
0x11d: {  	s5 =	sadd.s32 $0x1, s3  }
0x11e: {  	p3 =	por $0x1, $0x1;
	s8 =	sshll.u32 s3, $0xC;
	_ =	swait.ge [sflag:s5], $0x1000  }
0x11f: {  	s9 =	sshll.u32 s3, $0x7;
	s3 =	sadd.s32 $0x9, s3;
	[sflag:s5] =	ssyncset.done $0x0  }
0x120: {  	s8 =	sadd.s32 $0x5900, s8;
	s28 =	sadd.s32 $0x5100, s9;
	[sflag:s5] =	ssyncadd.s32 $0xFFFFF000  }
0x121: {  	[spmem:s2] =	stream.indirect.scatter.add.f32 [tilespmem:s8], [sflag:s3], $0x80, s28, s23, $0xb8;
	[tilespmem:$0x1F940] =	vst v63  }
.LBB2_23:
0x122: {  	s3 =	sadd.s32 $0x6, s17  }
0x123: {  	s3 =	sand.u32 $0x7, s3  }
0x124: {  	s5 =	sadd.s32 $0x1, s3  }
0x125: {  	p4 =	por $0x1, $0x1;
	s8 =	sshll.u32 s3, $0xC;
	_ =	swait.ge [sflag:s5], $0x1000  }
0x126: {  	s9 =	sshll.u32 s3, $0x7;
	s3 =	sadd.s32 $0x9, s3;
	[sflag:s5] =	ssyncset.done $0x0  }
0x127: {  	s8 =	sadd.s32 $0x5900, s8;
	s28 =	sadd.s32 $0x5100, s9;
	[sflag:s5] =	ssyncadd.s32 $0xFFFFF000  }
0x128: {  	[spmem:s2] =	stream.indirect.scatter.add.f32 [tilespmem:s8], [sflag:s3], $0x80, s28, s23, $0xb8;
	[tilespmem:$0x1F940] =	vst v63  }
.LBB2_25:
0x129: {  	s3 =	sadd.s32 $0xFFFFFFFF, s17  }
0x12a: {  	s3 =	sand.u32 $0x7, s3  }
0x12b: {  	s5 =	sadd.s32 $0x1, s3  }
0x12c: {  	p5 =	por $0x1, $0x1;
	s8 =	sshll.u32 s3, $0xC;
	_ =	swait.ge [sflag:s5], $0x1000  }
0x12d: {  	s9 =	sshll.u32 s3, $0x7;
	s3 =	sadd.s32 $0x9, s3;
	[sflag:s5] =	ssyncset.done $0x0  }
0x12e: {  	s8 =	sadd.s32 $0x5900, s8;
	s28 =	sadd.s32 $0x5100, s9;
	[sflag:s5] =	ssyncadd.s32 $0xFFFFF000  }
0x12f: {  	[spmem:s2] =	stream.indirect.scatter.add.f32 [tilespmem:s8], [sflag:s3], $0x80, s28, s23, $0xb8;
	[tilespmem:$0x1F940] =	vst v63  }
.LBB2_27:
0x130: {  	p6 =	slt.u32 s4, $0x8  }
.Ltmp14:
0x131: {  	_ = 	snop;
	(pc) =	sbr.rel @p6 .LBB2_29-.Ltmp14, $4  }
0x132: {  	_ =	swait.ge [sflag:s31], $0x1000  }
0x133: {  	[sflag:s31] =	ssyncset.done $0x0  }
0x134: {  	s3 =	sadd.s32 $0x5100, s7;
	s0 =	sadd.s32 $0x9, s0;
	[sflag:s31] =	ssyncadd.s32 $0xFFFFF000  }
0x135: {  	[spmem:s2] =	stream.indirect.scatter.add.f32 [tilespmem:s30], [sflag:s0], $0x80, s3, s23, $0xb8;
	[tilespmem:$0x1F940] =	vst v63  }
.Ltmp15:
0x136: {  	s3 =	sand.u32 $0x7, s4;
	(pc) =	sbr.rel .LBB2_30-.Ltmp15, $4  }
0x137: {  	s3 =	sadd.s32 $0x9, s3  }
0x138: {  	_ =	swait.ge [sflag:s3], $0x1000  }
0x139: {  	[sflag:s3] =	ssyncset.done $0x0  }
0x13a: {  	[sflag:s3] =	ssyncadd.s32 $0xFFFFF000  }
.LBB2_29:
.Ltmp16:
0x13b: {  	(pc) =	sbr.rel @p0 .LBB2_35-.Ltmp16, $1  }
0x13c: {  	_ =	sdelay $0x3  }
.LBB2_30:
.Ltmp17:
0x13d: {  	(pc) =	sbr.rel @!p1 .LBB2_31-.Ltmp17, $4  }
0x13e: {  	s3 =	sadd.s32 $0x9, s29  }
0x13f: {  	_ =	swait.ge [sflag:s3], $0x1000  }
0x140: {  	[sflag:s3] =	ssyncset.done $0x0  }
0x141: {  	[sflag:s3] =	ssyncadd.s32 $0xFFFFF000  }
.LBB2_36:
0x142: {  	s3 =	sadd.s32 $0xFFFFFFFB, s17  }
0x143: {  	s4 =	sshra.s32 s3, $0x1F  }
0x144: {  	s4 =	sshrl.u32 s4, $0x1D  }
0x145: {  	s4 =	sadd.s32 s4, s3  }
0x146: {  	s4 =	sand.u32 $0xFFFFFFF8, s4  }
.Ltmp18:
0x147: {  	s3 =	ssub.s32 s3, s4;
	(pc) =	sbr.rel @p2 .LBB2_37-.Ltmp18, $4  }
0x148: {  	s3 =	sadd.s32 $0x9, s3  }
0x149: {  	_ =	swait.ge [sflag:s3], $0x1000  }
0x14a: {  	[sflag:s3] =	ssyncset.done $0x0  }
0x14b: {  	[sflag:s3] =	ssyncadd.s32 $0xFFFFF000  }
.LBB2_32:
.Ltmp19:
0x14c: {  	(pc) =	sbr.rel @!p3 .LBB2_33-.Ltmp19, $1  }
0x14d: {  	_ =	sdelay $0x3  }
.LBB2_38:
0x14e: {  	s3 =	sadd.s32 $0xFFFFFFFD, s17  }
0x14f: {  	s4 =	sshra.s32 s3, $0x1F  }
0x150: {  	s4 =	sshrl.u32 s4, $0x1D  }
0x151: {  	s4 =	sadd.s32 s4, s3  }
0x152: {  	s4 =	sand.u32 $0xFFFFFFF8, s4  }
.Ltmp20:
0x153: {  	s3 =	ssub.s32 s3, s4;
	(pc) =	sbr.rel @p4 .LBB2_39-.Ltmp20, $4  }
0x154: {  	s3 =	sadd.s32 $0x9, s3  }
0x155: {  	_ =	swait.ge [sflag:s3], $0x1000  }
0x156: {  	[sflag:s3] =	ssyncset.done $0x0  }
0x157: {  	[sflag:s3] =	ssyncadd.s32 $0xFFFFF000  }
.LBB2_34:
.Ltmp21:
0x158: {  	(pc) =	sbr.rel @!p5 .LBB2_41-.Ltmp21, $1  }
0x159: {  	_ =	sdelay $0x3  }
.LBB2_40:
0x15a: {  	s3 =	sadd.s32 $0xFFFFFFFF, s17  }
0x15b: {  	s4 =	sshra.s32 s3, $0x1F  }
0x15c: {  	s4 =	sshrl.u32 s4, $0x1D  }
0x15d: {  	s4 =	sadd.s32 s4, s3  }
0x15e: {  	s4 =	sand.u32 $0xFFFFFFF8, s4  }
0x15f: {  	s3 =	ssub.s32 s3, s4  }
0x160: {  	s3 =	sadd.s32 $0x9, s3  }
0x161: {  	_ =	swait.ge [sflag:s3], $0x1000  }
0x162: {  	[sflag:s3] =	ssyncset.done $0x0  }
0x163: {  	[sflag:s3] =	ssyncadd.s32 $0xFFFFF000  }
.LBB2_41:
0x164: {  	_ =	swait.ge [sflag:s0], $0x1000  }
0x165: {  	[sflag:s0] =	ssyncset.done $0x0  }
0x166: {  	[sflag:s0] =	ssyncadd.s32 $0xFFFFF000  }
.LBB2_42:
0x167: {  	[bflag:$0x0] =	sbarrier.arrive $0xFFFF;
	s0 =	sshll.u32 s26, $0x11;
	s3 =	stileid.u32  }
0x168: {  	s4 =	sshrl.u32 s6, $0x3;
	s25 =	sadd.s32 $0x1, s25;
	s3 =	sshll.u32 s3, $0x6  }
0x169: {  	s0 =	sadd.s32 s0, s16;
	p0 =	sne.s32 s25, $0xF;
	s3 =	sor.u32 $0x1C12, s3  }
0x16a: {  	[hbm:s0], [sflag:s3] =	dma.local [spmem:s4], $0x2000  }
.Ltmp22:
0x16b: {  	_ = 	snop;
	(pc) =	sbr.rel @p0 .LBB2_4-.Ltmp22, $4  }
.Ltmp23:
0x16c: {  	_ = 	snop;
	(pc) =	sbr.rel @!p0 .LBB2_43-.Ltmp23, $4  }
0x16d: {  	_ =	swait.ge [sflag:s18], $0x2000  }
0x16e: {  	[sflag:s18] =	ssyncset.done $0x0  }
0x16f: {  	[sflag:s18] =	ssyncadd.s32 $0xFFFFE000  }
0x170: {  	_ = 	snop  }
.LBB2_18:
0x171: {  	p2 =	slt.s32 s4, $0x5  }
.Ltmp24:
0x172: {  	_ = 	snop;
	(pc) =	sbr.rel @!p2 .LBB2_19-.Ltmp24, $2  }
0x173: {  	_ =	sdelay $0x2  }
0x174: {  	p1 =	por $0x0, $0x0  }
0x175: {  	p3 =	sne.s32 s4, $0x4  }
.Ltmp25:
0x176: {  	_ = 	snop;
	(pc) =	sbr.rel @!p3 .LBB2_21-.Ltmp25, $2  }
0x177: {  	_ =	sdelay $0x2  }
0x178: {  	p1 =	por $0x0, $0x0;
	p2 =	por $0x0, $0x0  }
0x179: {  	p4 =	slt.s32 s4, $0x3  }
.Ltmp26:
0x17a: {  	_ = 	snop;
	(pc) =	sbr.rel @!p4 .LBB2_23-.Ltmp26, $2  }
0x17b: {  	_ =	sdelay $0x2  }
0x17c: {  	p2 =	por $0x0, $0x0;
	p1 =	por $0x0, $0x0;
	p3 =	por $0x0, $0x0  }
0x17d: {  	p5 =	sne.s32 s4, $0x2  }
.Ltmp27:
0x17e: {  	_ = 	snop;
	(pc) =	sbr.rel @!p5 .LBB2_25-.Ltmp27, $3  }
0x17f: {  	_ =	sdelay $0x1  }
0x180: {  	p3 =	por $0x0, $0x0  }
0x181: {  	p1 =	por $0x0, $0x0;
	p2 =	por $0x0, $0x0;
	p4 =	por $0x0, $0x0  }
0x182: {  	p6 =	sgt.u32 s17, $0x7FFFFFFE  }
.Ltmp28:
0x183: {  	_ = 	snop;
	(pc) =	sbr.rel @p6 .LBB2_42-.Ltmp28, $4  }
.Ltmp29:
0x184: {  	_ = 	snop;
	(pc) =	sbr.rel @!p6 .LBB2_27-.Ltmp29, $4  }
0x185: {  	_ = 	snop  }
0x186: {  	p4 =	por $0x0, $0x0;
	p2 =	por $0x0, $0x0  }
0x187: {  	p1 =	por $0x0, $0x0;
	p3 =	por $0x0, $0x0;
	p5 =	por $0x0, $0x0  }
0x188: {  	_ = 	snop  }
.LBB2_35:
.Ltmp30:
0x189: {  	(pc) =	sbr.rel @p1 .LBB2_36-.Ltmp30, $1  }
0x18a: {  	_ =	sdelay $0x3  }
.LBB2_31:
.Ltmp31:
0x18b: {  	(pc) =	sbr.rel @!p2 .LBB2_32-.Ltmp31, $1  }
0x18c: {  	_ =	sdelay $0x3  }
.LBB2_37:
0x18d: {  	s3 =	sadd.s32 $0xFFFFFFFC, s17  }
0x18e: {  	s4 =	sshra.s32 s3, $0x1F  }
0x18f: {  	s4 =	sshrl.u32 s4, $0x1D  }
0x190: {  	s4 =	sadd.s32 s4, s3  }
0x191: {  	s4 =	sand.u32 $0xFFFFFFF8, s4  }
.Ltmp32:
0x192: {  	s3 =	ssub.s32 s3, s4;
	(pc) =	sbr.rel @p3 .LBB2_38-.Ltmp32, $4  }
0x193: {  	s3 =	sadd.s32 $0x9, s3  }
0x194: {  	_ =	swait.ge [sflag:s3], $0x1000  }
0x195: {  	[sflag:s3] =	ssyncset.done $0x0  }
0x196: {  	[sflag:s3] =	ssyncadd.s32 $0xFFFFF000  }
.LBB2_33:
.Ltmp33:
0x197: {  	(pc) =	sbr.rel @!p4 .LBB2_34-.Ltmp33, $1  }
0x198: {  	_ =	sdelay $0x3  }
.LBB2_39:
0x199: {  	s3 =	sadd.s32 $0xFFFFFFFE, s17  }
0x19a: {  	s4 =	sshra.s32 s3, $0x1F  }
0x19b: {  	s4 =	sshrl.u32 s4, $0x1D  }
0x19c: {  	s4 =	sadd.s32 s4, s3  }
0x19d: {  	s4 =	sand.u32 $0xFFFFFFF8, s4  }
.Ltmp34:
0x19e: {  	s3 =	ssub.s32 s3, s4;
	(pc) =	sbr.rel @!p5 .LBB2_41-.Ltmp34, $4  }
.Ltmp35:
0x19f: {  	s3 =	sadd.s32 $0x9, s3;
	(pc) =	sbr.rel @p5 .LBB2_40-.Ltmp35, $4  }
0x1a0: {  	_ =	swait.ge [sflag:s3], $0x1000  }
0x1a1: {  	[sflag:s3] =	ssyncset.done $0x0  }
0x1a2: {  	[sflag:s3] =	ssyncadd.s32 $0xFFFFF000  }
0x1a3: {  	_ = 	snop  }
.LBB2_44:
0x1a4: {  	_ =	sfence.sel $0x180000  }
0x1a5: {  	[bflag:$0x0] =	sbarrier.arrive $0xFFFF  }
0x1a6: {  	_ =	strace $0x90000047  }
0x1a7: {  	s0 =	stileid.u32;
	[bflag:$0x2] =	sbarrier.arrive $0xFFFF  }
0x1a8: {  	p0 =	sne.s32 s0, $0x0;
	s0 =	rddreg [dreg:$0x4]  }
0x1a9: {  	s0 =	sadd.s32 @!p0 $0x100000, s0  }
0x1aa: {  	[sflag:s0] =	ssyncadd.tile.s32 @!p0 $0x1;
	_ =	shalt  }
.Lfunc_end2:
_tile_overlayer_lowered:
.L_overlay_start_2:
0x1ab: {  	(tag) =	ssettag $0x2  }
0x1ac: {  	s0 =	rddreg [dreg:$0x0];
	s2 =	stileid.u32  }
0x1ad: {  	s1 =	rddreg [dreg:$0x1];
	p0 =	sne.s32 s2, $0x0  }
0x1ae: {  	s3 =	rddreg [dreg:$0x2];
	[bflag:$0x3] =	sbarrier.arrive $0xFFFF;
	s2 =	simm.s32 @!p0 $0x1C12  }
0x1af: {  	[timem:s3], [sflag:s2] =	dma.local @!p0 [hbm:s0], s1  }
0x1b0: {  	s0 =	simm.s32 @!p0 $0x12  }
0x1b1: {  	_ =	swait.ge @!p0 [sflag:s0], s1  }
0x1b2: {  	s1 =	ssub.s32 @!p0 $0x0, s1;
	[sflag:s0] =	ssyncset.done @!p0 $0x0  }
0x1b3: {  	[sflag:s0] =	ssyncadd.s32 @!p0 s1  }
0x1b4: {  	[bflag:$0x3] =	sbarrier.arrive $0xFFFF  }
0x1b5: {  	_ =	shalt  }

</sc_bundles>
